<compile_context>
chip_gen: v7x
topology: tpu7x:2x2x1
jax: 0.10.2.dev20260603
libtpu: 0.0.44.dev20260713+nightly
codegen_flags: <defaults>
</compile_context>

<pallas_src>
import jax
import jax.numpy as jnp
import numpy as np
from jax import lax
from jax.experimental import pallas as pl
from jax.experimental.pallas import tpu as pltpu
from jax.experimental.pallas import tpu_sc as plsc

N = 10000
E = 320000
D = 128
MSG = 16
TIME = 16
H = 2
C = 64
HC = H * C

NW = 32
EPW = E // NW
CH = 80
NCH = EPW // CH
NP = 10240
TPS = NP // 16
DN_ROWS = 256



def _tc1_body(x_ref, wk_ref, wv_ref, wq_ref, ws_ref, bk_ref, bv_ref, bq_ref, bs_ref,
              kv_ref, q_ref, s_ref):
    x = x_ref[...]
    kv_ref[:, :HC] = jnp.dot(x, wk_ref[...], preferred_element_type=jnp.float32) + bk_ref[...]
    kv_ref[:, HC:] = jnp.dot(x, wv_ref[...], preferred_element_type=jnp.float32) + bv_ref[...]
    q_ref[...] = jnp.dot(x, wq_ref[...], preferred_element_type=jnp.float32) + bq_ref[...]
    s_ref[...] = jnp.dot(x, ws_ref[...], preferred_element_type=jnp.float32) + bs_ref[...]


def _tc1(x, Wk, bk, Wv, bv, Wq, bq, Wskip, bskip):
    BLK = 1000
    grid = (N // BLK,)
    w_spec = pl.BlockSpec((D, HC), lambda i: (0, 0))
    b_spec = pl.BlockSpec((HC,), lambda i: (0,))
    kv, q, s = pl.pallas_call(
        _tc1_body,
        grid=grid,
        in_specs=[pl.BlockSpec((BLK, D), lambda i: (i, 0)),
                  w_spec, w_spec, w_spec, w_spec,
                  b_spec, b_spec, b_spec, b_spec],
        out_specs=[pl.BlockSpec((BLK, 2 * HC), lambda i: (i, 0)),
                   pl.BlockSpec((BLK, HC), lambda i: (i, 0)),
                   pl.BlockSpec((BLK, HC), lambda i: (i, 0))],
        out_shape=[jax.ShapeDtypeStruct((N, 2 * HC), jnp.float32),
                   jax.ShapeDtypeStruct((N, HC), jnp.float32),
                   jax.ShapeDtypeStruct((N, HC), jnp.float32)],
    )(x, Wk, Wv, Wq, Wskip, bk, bv, bq, bskip)
    return kv, q, s



def _sc0_body(lu_hbm, src_hbm, out_hbm, idx_v, lu_v, sem):
    c = lax.axis_index("c")
    s = lax.axis_index("s")
    wid = c * 16 + s
    pltpu.sync_copy(src_hbm.at[wid], idx_v)

    def group(g, carry):
        cps = [pltpu.async_copy(lu_hbm.at[idx_v.at[5 * g + k]],
                                lu_v.at[5 * g + k], sem) for k in range(5)]
        for cp in cps:
            cp.wait()
        return carry

    lax.fori_loop(0, NCH // 5, group, 0)
    pltpu.sync_copy(lu_v, out_hbm.at[wid])


def _sc0(last_update, src3):
    mesh = plsc.VectorSubcoreMesh(core_axis_name="c", subcore_axis_name="s")
    f = pl.kernel(
        _sc0_body,
        mesh=mesh,
        out_type=jax.ShapeDtypeStruct((NW, NCH, CH), jnp.float32),
        scratch_types=[
            pltpu.VMEM((NCH, CH), jnp.int32),
            pltpu.VMEM((NCH, CH), jnp.float32),
            pltpu.SemaphoreType.DMA,
        ],
    )
    return f(last_update, src3)



def _tc2_body(lu_ref, t_ref, msg_ref, wt_ref, bt_ref, we_ref, e_ref):
    rel = lu_ref[0, 0] - t_ref[0, 0]
    enc = jnp.cos(rel[:, None] * wt_ref[0][None, :] + bt_ref[...][None, :])
    e_ref[...] = (jnp.dot(enc, we_ref[:TIME, :], preferred_element_type=jnp.float32)
                  + jnp.dot(msg_ref[...], we_ref[TIME:, :], preferred_element_type=jnp.float32))


def _tc2(lu_src, t, msg, W_t, b_t, We):
    BLK = 2560
    grid = (E // BLK,)
    lu2 = lu_src.reshape(E // BLK, 1, BLK)
    t2 = t.reshape(E // BLK, 1, BLK)
    return pl.pallas_call(
        _tc2_body,
        grid=grid,
        in_specs=[pl.BlockSpec((1, 1, BLK), lambda i: (i, 0, 0)),
                  pl.BlockSpec((1, 1, BLK), lambda i: (i, 0, 0)),
                  pl.BlockSpec((BLK, MSG), lambda i: (i, 0)),
                  pl.BlockSpec((1, TIME), lambda i: (0, 0)),
                  pl.BlockSpec((TIME,), lambda i: (0,)),
                  pl.BlockSpec((TIME + MSG, HC), lambda i: (0, 0))],
        out_specs=pl.BlockSpec((BLK, HC), lambda i: (i, 0)),
        out_shape=jax.ShapeDtypeStruct((E, HC), jnp.float32),
    )(lu2, t2, msg, W_t, b_t, We)



def _sc1_body(kv_hbm, q_hbm, e_hbm, src_hbm, dst_hbm, parts_hbm, dn_hbm,
              sidx_c, didx_c, kv_v, q_v, e_v, d64_v, zrow_v,
              acc_sh, dn_sh, sem_kv, sem_q, sem_e, sem_si, sem_di, sem_av, sem_dn):
    c = lax.axis_index("c")
    s = lax.axis_index("s")
    wid = c * 16 + s

    def zlane(i, carry):
        for j in range(HC // 16):
            zrow_v[i, pl.ds(j * 16, 16)] = jnp.zeros((16,), jnp.float32)
        return carry

    lax.fori_loop(0, 16, zlane, 0)

    def zacc(r, carry):
        pltpu.sync_copy(zrow_v, acc_sh.at[pl.ds(s * TPS + r * 16, 16)])
        return carry

    lax.fori_loop(0, TPS // 16, zacc, 0)
    pltpu.sync_copy(zrow_v, dn_sh.at[pl.ds(s * 16, 16)])
    plsc.subcore_barrier()

    inv_sqrt_c = np.float32(1.0 / np.sqrt(C))
    lane = lax.iota(jnp.int32, 16)

    def lane_sum(vec):
        for sft in (1, 2, 4, 8):
            vec = vec + vec.at[jnp.bitwise_xor(lane, sft)].get(mode="promise_in_bounds")
        return vec

    def chunk(j, carry):
        ebase = pl.multiple_of(wid * EPW + j * CH, 8)
        cp_si = pltpu.async_copy(src_hbm.at[pl.ds(ebase, CH)], sidx_c, sem_si)
        cp_di = pltpu.async_copy(dst_hbm.at[pl.ds(ebase, CH)], didx_c, sem_di)
        cp_e = pltpu.async_copy(e_hbm.at[pl.ds(ebase, CH)], e_v, sem_e)
        cp_si.wait()
        cp_di.wait()
        cp_kv = pltpu.async_copy(kv_hbm.at[sidx_c], kv_v, sem_kv)
        cp_q = pltpu.async_copy(q_hbm.at[didx_c], q_v, sem_q)
        cp_kv.wait()
        cp_q.wait()
        cp_e.wait()

        for g in range(CH // 16):
            d16 = didx_c[pl.ds(g * 16, 16)]
            d64_v[pl.ds(g * 16, 16)] = lax.shift_right_logical(d16, 6)

        def edge(i, carry2):
            acc0 = jnp.zeros((16,), jnp.float32)
            acc1 = jnp.zeros((16,), jnp.float32)
            for jj in range(4):
                qv = q_v[i, pl.ds(jj * 16, 16)]
                kv = kv_v[i, pl.ds(jj * 16, 16)] + e_v[i, pl.ds(jj * 16, 16)]
                acc0 = acc0 + qv * kv
            for jj in range(4, 8):
                qv = q_v[i, pl.ds(jj * 16, 16)]
                kv = kv_v[i, pl.ds(jj * 16, 16)] + e_v[i, pl.ds(jj * 16, 16)]
                acc1 = acc1 + qv * kv
            a0v = jnp.exp(lane_sum(acc0) * inv_sqrt_c)
            a1v = jnp.exp(lane_sum(acc1) * inv_sqrt_c)
            for jj in range(4):
                e_v[i, pl.ds(jj * 16, 16)] = a0v * (
                    kv_v[i, pl.ds(HC + jj * 16, 16)] + e_v[i, pl.ds(jj * 16, 16)])
            for jj in range(4, 8):
                e_v[i, pl.ds(jj * 16, 16)] = a1v * (
                    kv_v[i, pl.ds(HC + jj * 16, 16)] + e_v[i, pl.ds(jj * 16, 16)])
            dgrp = didx_c[pl.ds((i // 16) * 16, 16)]
            dstv = dgrp.at[jnp.full((16,), i % 16, jnp.int32)].get(
                mode="promise_in_bounds")
            col0 = 2 * jnp.bitwise_and(dstv, 63)
            zero16 = jnp.zeros((16,), jnp.float32)
            for jj in range(8):
                lane16 = lane + (16 * jj)
                q_v[i, pl.ds(jj * 16, 16)] = jnp.where(
                    lane16 == col0, a0v,
                    jnp.where(lane16 == col0 + 1, a1v, zero16))
            return carry2

        lax.fori_loop(0, CH, edge, 0)
        cp_av = pltpu.async_copy(e_v, acc_sh.at[didx_c], sem_av, add=True)
        cp_dn = pltpu.async_copy(q_v, dn_sh.at[d64_v], sem_dn, add=True)
        cp_av.wait()
        cp_dn.wait()
        return carry

    lax.fori_loop(0, NCH, chunk, 0)
    plsc.subcore_barrier()

    pltpu.sync_copy(acc_sh.at[pl.ds(s * TPS, TPS)],
                    parts_hbm.at[c, pl.ds(s * TPS, TPS)])
    pltpu.sync_copy(dn_sh.at[pl.ds(s * 16, 16)],
                    dn_hbm.at[c, pl.ds(s * 16, 16)])


def _sc1(kv, q, e_full, src1, dst1):
    mesh = plsc.VectorSubcoreMesh(core_axis_name="c", subcore_axis_name="s")
    f = pl.kernel(
        _sc1_body,
        mesh=mesh,
        out_type=[jax.ShapeDtypeStruct((2, NP, HC), jnp.float32),
                  jax.ShapeDtypeStruct((2, DN_ROWS, HC), jnp.float32)],
        scratch_types=[
            pltpu.VMEM((CH,), jnp.int32),
            pltpu.VMEM((CH,), jnp.int32),
            pltpu.VMEM((CH, 2 * HC), jnp.float32),
            pltpu.VMEM((CH, HC), jnp.float32),
            pltpu.VMEM((CH, HC), jnp.float32),
            pltpu.VMEM((CH,), jnp.int32),
            pltpu.VMEM((16, HC), jnp.float32),
            pltpu.VMEM_SHARED((NP, HC), jnp.float32),
            pltpu.VMEM_SHARED((DN_ROWS, HC), jnp.float32),
            pltpu.SemaphoreType.DMA, pltpu.SemaphoreType.DMA,
            pltpu.SemaphoreType.DMA, pltpu.SemaphoreType.DMA,
            pltpu.SemaphoreType.DMA, pltpu.SemaphoreType.DMA,
            pltpu.SemaphoreType.DMA,
        ],
    )
    return f(kv, q, e_full, src1, dst1)



def _tc3_body(p_ref, pd_ref, s_ref, o_ref):
    av = p_ref[0] + p_ref[1]
    dd = pd_ref[0] + pd_ref[1]
    d0 = dd[:, 0:1]
    d1 = dd[:, 1:2]
    o0 = jnp.where(d0 > 0, av[:, :C] / d0, 0.0)
    o1 = jnp.where(d1 > 0, av[:, C:] / d1, 0.0)
    o_ref[...] = jnp.concatenate([o0, o1], axis=1) + s_ref[...]


def _tc3(parts, dn2, skip):
    BLK = 1000
    grid = (N // BLK,)
    return pl.pallas_call(
        _tc3_body,
        grid=grid,
        in_specs=[pl.BlockSpec((2, BLK, HC), lambda i: (0, i, 0)),
                  pl.BlockSpec((2, BLK, 2), lambda i: (0, i, 0)),
                  pl.BlockSpec((BLK, HC), lambda i: (i, 0))],
        out_specs=pl.BlockSpec((BLK, HC), lambda i: (i, 0)),
        out_shape=jax.ShapeDtypeStruct((N, HC), jnp.float32),
    )(parts, dn2, skip)


def kernel(x, last_update, edge_index, t, msg, W_t, b_t, Wq, bq, Wk, bk, Wv, bv, We, Wskip, bskip):
    src1 = edge_index[0]
    dst1 = edge_index[1]
    src3 = src1.reshape(NW, NCH, CH)
    kv, q, skip = _tc1(x, Wk, bk, Wv, bv, Wq, bq, Wskip, bskip)
    lu_src = _sc0(last_update, src3).reshape(E)
    e_full = _tc2(lu_src, t, msg, W_t, b_t, We)
    parts, dn_parts = _sc1(kv, q, e_full, src1, dst1)
    dn2 = dn_parts.reshape(2, DN_ROWS * C, 2)
    return _tc3(parts, dn2, skip)

# --- scband reference (transcript-rebuilt; emitter-appended) ---
"""Pipeline reference for scband-graph-attention-embedding-30966714204565 (READ-ONLY COPY).

The authoritative reference and input builder live on the scoring server;
editing this copy changes nothing except your own understanding.
"""

import jax, jax.numpy as jnp
import numpy as np

N = 10000
E = 320000
D = 128
MSG = 16
TIME = 16
H = 2
C = 64


def _segment_softmax(alpha, seg, num_segments):
    amax = jax.lax.stop_gradient(jax.ops.segment_max(alpha, seg, num_segments=num_segments))
    amax = jnp.where(jnp.isfinite(amax), amax, 0.0)
    a = jnp.exp(alpha - amax[seg])
    denom = jax.ops.segment_sum(a, seg, num_segments=num_segments)
    return a / (denom[seg] + 1e-16)


def setup_inputs(seed: int = 0):
    key = jax.random.key(seed)
    ks = jax.random.split(key, 16)
    x = jax.random.normal(ks[0], (N, D), dtype=jnp.float32)
    last_update = jax.random.uniform(ks[1], (N,), dtype=jnp.float32) * 1000.0
    edge_index = jax.random.randint(ks[2], (2, E), 0, N, dtype=jnp.int32)
    t = jax.random.uniform(ks[3], (E,), dtype=jnp.float32) * 1000.0
    msg = jax.random.normal(ks[4], (E, MSG), dtype=jnp.float32)
    W_t = jax.random.normal(ks[5], (1, TIME), dtype=jnp.float32)
    b_t = jnp.zeros((TIME,), dtype=jnp.float32)
    sd = 1.0 / np.sqrt(D)
    Wq = jax.random.normal(ks[6], (D, H * C), dtype=jnp.float32) * sd
    bq = jnp.zeros((H * C,), dtype=jnp.float32)
    Wk = jax.random.normal(ks[7], (D, H * C), dtype=jnp.float32) * sd
    bk = jnp.zeros((H * C,), dtype=jnp.float32)
    Wv = jax.random.normal(ks[8], (D, H * C), dtype=jnp.float32) * sd
    bv = jnp.zeros((H * C,), dtype=jnp.float32)
    se = 1.0 / np.sqrt(TIME + MSG)
    We = jax.random.normal(ks[9], (TIME + MSG, H * C), dtype=jnp.float32) * se
    Wskip = jax.random.normal(ks[10], (D, H * C), dtype=jnp.float32) * sd
    bskip = jnp.zeros((H * C,), dtype=jnp.float32)
    return {"x": x, "last_update": last_update, "edge_index": edge_index, "t": t, "msg": msg, "W_t": W_t, "b_t": b_t, "Wq": Wq, "bq": bq, "Wk": Wk, "bk": bk, "Wv": Wv, "bv": bv, "We": We, "Wskip": Wskip, "bskip": bskip}


def reference(x, last_update, edge_index, t, msg, W_t, b_t, Wq, bq, Wk, bk, Wv, bv, We, Wskip, bskip):
    src = edge_index[0]
    dst = edge_index[1]
    # TimeEncoder: cos(Linear(1 -> TIME)(rel_t))
    rel_t = last_update[src] - t
    rel_t_enc = jnp.cos(rel_t[:, None] @ W_t + b_t)
    edge_attr = jnp.concatenate([rel_t_enc, msg], axis=-1)
    # TransformerConv(in=D, out=C per head, heads=H, edge_dim=TIME+MSG), eval mode (dropout off)
    q = (x @ Wq + bq).reshape(N, H, C)
    k = (x @ Wk + bk).reshape(N, H, C)
    v = (x @ Wv + bv).reshape(N, H, C)
    e = (edge_attr @ We).reshape(E, H, C)
    k_j = k[src] + e
    q_i = q[dst]
    alpha = jnp.sum(q_i * k_j, axis=-1) / np.sqrt(C)
    alpha = _segment_softmax(alpha, dst, N)
    out_e = (v[src] + e) * alpha[:, :, None]
    out = jax.ops.segment_sum(out_e, dst, num_segments=N)
    out = out.reshape(N, H * C)
    out = out + x @ Wskip + bskip
    return out

if __name__ == "__main__":
    import jax
    _d = setup_inputs()
    print(jax.jit(kernel)(*tuple(_d.values())))

</pallas_src>

<mosaic_0001>
#map = affine_map<(d0, d1) -> (0, 0)>
#map1 = affine_map<(d0, d1) -> (0)>
#map2 = affine_map<(d0, d1) -> (0, 0, 0)>
module attributes {stable_mosaic.version = 14 : i64} {
  func.func @_sc1_body(%arg0: i32, %arg1: i32, %arg2: memref<10000x256xf32, #tpu.memory_space<hbm>>, %arg3: memref<10000x128xf32, #tpu.memory_space<hbm>>, %arg4: memref<320000x128xf32, #tpu.memory_space<hbm>>, %arg5: memref<320000xi32, #tpu.memory_space<hbm>>, %arg6: memref<320000xi32, #tpu.memory_space<hbm>>, %arg7: memref<2x10240x128xf32, #tpu.memory_space<hbm>>, %arg8: memref<2x256x128xf32, #tpu.memory_space<hbm>>, %arg9: memref<80xi32, #tpu.memory_space<vmem>>, %arg10: memref<80xi32, #tpu.memory_space<vmem>>, %arg11: memref<80x256xf32, #tpu.memory_space<vmem>>, %arg12: memref<80x128xf32, #tpu.memory_space<vmem>>, %arg13: memref<80x128xf32, #tpu.memory_space<vmem>>, %arg14: memref<80xi32, #tpu.memory_space<vmem>>, %arg15: memref<16x128xf32, #tpu.memory_space<vmem>>, %arg16: memref<10240x128xf32, #tpu.memory_space<vmem_shared>>, %arg17: memref<256x128xf32, #tpu.memory_space<vmem_shared>>, %arg18: memref<!tpu.dma_semaphore, #tpu.memory_space<semaphore_mem>>, %arg19: memref<!tpu.dma_semaphore, #tpu.memory_space<semaphore_mem>>, %arg20: memref<!tpu.dma_semaphore, #tpu.memory_space<semaphore_mem>>, %arg21: memref<!tpu.dma_semaphore, #tpu.memory_space<semaphore_mem>>, %arg22: memref<!tpu.dma_semaphore, #tpu.memory_space<semaphore_mem>>, %arg23: memref<!tpu.dma_semaphore, #tpu.memory_space<semaphore_mem>>, %arg24: memref<!tpu.dma_semaphore, #tpu.memory_space<semaphore_mem>>) attributes {dimension_semantics = [#tpu.dimension_semantics<core_parallel>, #tpu.dimension_semantics<subcore_parallel>], iteration_bounds = array<i64: 2, 16>, scalar_prefetch = 0 : i64, scratch_operands = 16 : i64, tpu.core_type = #tpu.core_type<sc_vector_subcore>, window_params = [{transform_indices = #map}, {transform_indices = #map}, {transform_indices = #map}, {transform_indices = #map1}, {transform_indices = #map1}, {transform_indices = #map2}, {transform_indices = #map2}]} {
    %mul3A = arith.constant 16 : i32
    %mul3A_0 = arith.muli %arg0, %mul3A : i32
    %add3A = arith.addi %mul3A_0, %arg1 : i32
    %scan3A = arith.constant 0 : i32
    %scan3A_1 = arith.constant 0 : i32
    %scan3A_2 = arith.constant 16 : i32
    %scan3A_3 = arith.addi %scan3A_1, %scan3A_2 : i32
    %scan3A_4 = arith.constant 1 : i32
    scf.for %scan3A_29 = %scan3A_1 to %scan3A_3 step %scan3A_4  : i32 {
      %broadcast_in_dim3A = arith.constant 0.000000e+00 : f32
      %broadcast_in_dim3A_30 = vector.broadcast %broadcast_in_dim3A : f32 to vector<16xf32>
      %swap3A = arith.index_cast %scan3A_29 : i32 to index
      %swap3A_31 = arith.constant 0 : index
      %swap3A_32 = tpu.vector_load %arg15[%swap3A, %swap3A_31] {strides = array<i32>} : memref<16x128xf32, #tpu.memory_space<vmem>>, vector<1x16xf32>,
      %swap3A_33 = vector.shape_cast %swap3A_32 : vector<1x16xf32> to vector<16xf32>
      %swap3A_34 = vector.shape_cast %broadcast_in_dim3A_30 : vector<16xf32> to vector<1x16xf32>
      tpu.vector_store %arg15[%swap3A, %swap3A_31], %swap3A_34 {strides = array<i32>} : memref<16x128xf32, #tpu.memory_space<vmem>>, vector<1x16xf32>,
      %broadcast_in_dim3A_35 = arith.constant 0.000000e+00 : f32
      %broadcast_in_dim3A_36 = vector.broadcast %broadcast_in_dim3A_35 : f32 to vector<16xf32>
      %swap3A_37 = arith.index_cast %scan3A_29 : i32 to index
      %swap3A_38 = arith.constant 16 : index
      %swap3A_39 = tpu.vector_load %arg15[%swap3A_37, %swap3A_38] {strides = array<i32>} : memref<16x128xf32, #tpu.memory_space<vmem>>, vector<1x16xf32>,
      %swap3A_40 = vector.shape_cast %swap3A_39 : vector<1x16xf32> to vector<16xf32>
      %swap3A_41 = vector.shape_cast %broadcast_in_dim3A_36 : vector<16xf32> to vector<1x16xf32>
      tpu.vector_store %arg15[%swap3A_37, %swap3A_38], %swap3A_41 {strides = array<i32>} : memref<16x128xf32, #tpu.memory_space<vmem>>, vector<1x16xf32>,
      %broadcast_in_dim3A_42 = arith.constant 0.000000e+00 : f32
      %broadcast_in_dim3A_43 = vector.broadcast %broadcast_in_dim3A_42 : f32 to vector<16xf32>
      %swap3A_44 = arith.index_cast %scan3A_29 : i32 to index
      %swap3A_45 = arith.constant 32 : index
      %swap3A_46 = tpu.vector_load %arg15[%swap3A_44, %swap3A_45] {strides = array<i32>} : memref<16x128xf32, #tpu.memory_space<vmem>>, vector<1x16xf32>,
      %swap3A_47 = vector.shape_cast %swap3A_46 : vector<1x16xf32> to vector<16xf32>
      %swap3A_48 = vector.shape_cast %broadcast_in_dim3A_43 : vector<16xf32> to vector<1x16xf32>
      tpu.vector_store %arg15[%swap3A_44, %swap3A_45], %swap3A_48 {strides = array<i32>} : memref<16x128xf32, #tpu.memory_space<vmem>>, vector<1x16xf32>,
      %broadcast_in_dim3A_49 = arith.constant 0.000000e+00 : f32
      %broadcast_in_dim3A_50 = vector.broadcast %broadcast_in_dim3A_49 : f32 to vector<16xf32>
      %swap3A_51 = arith.index_cast %scan3A_29 : i32 to index
      %swap3A_52 = arith.constant 48 : index
      %swap3A_53 = tpu.vector_load %arg15[%swap3A_51, %swap3A_52] {strides = array<i32>} : memref<16x128xf32, #tpu.memory_space<vmem>>, vector<1x16xf32>,
      %swap3A_54 = vector.shape_cast %swap3A_53 : vector<1x16xf32> to vector<16xf32>
      %swap3A_55 = vector.shape_cast %broadcast_in_dim3A_50 : vector<16xf32> to vector<1x16xf32>
      tpu.vector_store %arg15[%swap3A_51, %swap3A_52], %swap3A_55 {strides = array<i32>} : memref<16x128xf32, #tpu.memory_space<vmem>>, vector<1x16xf32>,
      %broadcast_in_dim3A_56 = arith.constant 0.000000e+00 : f32
      %broadcast_in_dim3A_57 = vector.broadcast %broadcast_in_dim3A_56 : f32 to vector<16xf32>
      %swap3A_58 = arith.index_cast %scan3A_29 : i32 to index
      %swap3A_59 = arith.constant 64 : index
      %swap3A_60 = tpu.vector_load %arg15[%swap3A_58, %swap3A_59] {strides = array<i32>} : memref<16x128xf32, #tpu.memory_space<vmem>>, vector<1x16xf32>,
      %swap3A_61 = vector.shape_cast %swap3A_60 : vector<1x16xf32> to vector<16xf32>
      %swap3A_62 = vector.shape_cast %broadcast_in_dim3A_57 : vector<16xf32> to vector<1x16xf32>
      tpu.vector_store %arg15[%swap3A_58, %swap3A_59], %swap3A_62 {strides = array<i32>} : memref<16x128xf32, #tpu.memory_space<vmem>>, vector<1x16xf32>,
      %broadcast_in_dim3A_63 = arith.constant 0.000000e+00 : f32
      %broadcast_in_dim3A_64 = vector.broadcast %broadcast_in_dim3A_63 : f32 to vector<16xf32>
      %swap3A_65 = arith.index_cast %scan3A_29 : i32 to index
      %swap3A_66 = arith.constant 80 : index
      %swap3A_67 = tpu.vector_load %arg15[%swap3A_65, %swap3A_66] {strides = array<i32>} : memref<16x128xf32, #tpu.memory_space<vmem>>, vector<1x16xf32>,
      %swap3A_68 = vector.shape_cast %swap3A_67 : vector<1x16xf32> to vector<16xf32>
      %swap3A_69 = vector.shape_cast %broadcast_in_dim3A_64 : vector<16xf32> to vector<1x16xf32>
      tpu.vector_store %arg15[%swap3A_65, %swap3A_66], %swap3A_69 {strides = array<i32>} : memref<16x128xf32, #tpu.memory_space<vmem>>, vector<1x16xf32>,
      %broadcast_in_dim3A_70 = arith.constant 0.000000e+00 : f32
      %broadcast_in_dim3A_71 = vector.broadcast %broadcast_in_dim3A_70 : f32 to vector<16xf32>
      %swap3A_72 = arith.index_cast %scan3A_29 : i32 to index
      %swap3A_73 = arith.constant 96 : index
      %swap3A_74 = tpu.vector_load %arg15[%swap3A_72, %swap3A_73] {strides = array<i32>} : memref<16x128xf32, #tpu.memory_space<vmem>>, vector<1x16xf32>,
      %swap3A_75 = vector.shape_cast %swap3A_74 : vector<1x16xf32> to vector<16xf32>
      %swap3A_76 = vector.shape_cast %broadcast_in_dim3A_71 : vector<16xf32> to vector<1x16xf32>
      tpu.vector_store %arg15[%swap3A_72, %swap3A_73], %swap3A_76 {strides = array<i32>} : memref<16x128xf32, #tpu.memory_space<vmem>>, vector<1x16xf32>,
      %broadcast_in_dim3A_77 = arith.constant 0.000000e+00 : f32
      %broadcast_in_dim3A_78 = vector.broadcast %broadcast_in_dim3A_77 : f32 to vector<16xf32>
      %swap3A_79 = arith.index_cast %scan3A_29 : i32 to index
      %swap3A_80 = arith.constant 112 : index
      %swap3A_81 = tpu.vector_load %arg15[%swap3A_79, %swap3A_80] {strides = array<i32>} : memref<16x128xf32, #tpu.memory_space<vmem>>, vector<1x16xf32>,
      %swap3A_82 = vector.shape_cast %swap3A_81 : vector<1x16xf32> to vector<16xf32>
      %swap3A_83 = vector.shape_cast %broadcast_in_dim3A_78 : vector<16xf32> to vector<1x16xf32>
      tpu.vector_store %arg15[%swap3A_79, %swap3A_80], %swap3A_83 {strides = array<i32>} : memref<16x128xf32, #tpu.memory_space<vmem>>, vector<1x16xf32>,
    }
    %scan3A_5 = arith.constant 16 : i32
    %scan3A_6 = arith.constant 0 : i32
    %scan3A_7 = arith.constant 0 : i32
    %scan3A_8 = arith.constant 40 : i32
    %scan3A_9 = arith.addi %scan3A_7, %scan3A_8 : i32
    %scan3A_10 = arith.constant 1 : i32
    scf.for %scan3A_29 = %scan3A_7 to %scan3A_9 step %scan3A_10  : i32 {
      %mul3A_30 = arith.constant 640 : i32
      %mul3A_31 = arith.muli %arg1, %mul3A_30 : i32
      %mul3A_32 = arith.constant 16 : i32
      %mul3A_33 = arith.muli %scan3A_29, %mul3A_32 : i32
      %add3A_34 = arith.addi %mul3A_31, %mul3A_33 : i32
      "tpu.region"() ({
        %run_scoped3A = tpu.sem_alloc : memref<!tpu.dma_semaphore, #tpu.memory_space<semaphore_mem>>
        %dma_start3A = arith.constant 0 : i32
        %dma_start3A_35 = tpu.memref_slice %arg16[%add3A_34, %dma_start3A] : memref<10240x128xf32, #tpu.memory_space<vmem_shared>> -> memref<16x128xf32, #tpu.memory_space<vmem_shared>>
        %dma_start3A_36 = arith.constant 0 : i32
        %dma_start3A_37 = tpu.memref_slice %arg16[%add3A_34, %dma_start3A_36] : memref<10240x128xf32, #tpu.memory_space<vmem_shared>> -> memref<16x128xf32, #tpu.memory_space<vmem_shared>>
        tpu.enqueue_dma source(%arg15 : memref<16x128xf32, #tpu.memory_space<vmem>>) target(%dma_start3A_37 : memref<16x128xf32, #tpu.memory_space<vmem_shared>>) target_semaphore(%run_scoped3A : memref<!tpu.dma_semaphore, #tpu.memory_space<semaphore_mem>>)
        %dma_wait3A = arith.constant 0 : i32
        %dma_wait3A_38 = tpu.memref_slice %arg16[%add3A_34, %dma_wait3A] : memref<10240x128xf32, #tpu.memory_space<vmem_shared>> -> memref<16x128xf32, #tpu.memory_space<vmem_shared>>
        %dma_wait3A_39 = arith.constant 0 : i32
        %dma_wait3A_40 = tpu.memref_slice %arg16[%add3A_34, %dma_wait3A_39] : memref<10240x128xf32, #tpu.memory_space<vmem_shared>> -> memref<16x128xf32, #tpu.memory_space<vmem_shared>>
        tpu.wait_dma2 semaphore(%run_scoped3A : memref<!tpu.dma_semaphore, #tpu.memory_space<semaphore_mem>>) src(%arg15 : memref<16x128xf32, #tpu.memory_space<vmem>>) dst(%dma_wait3A_40 : memref<16x128xf32, #tpu.memory_space<vmem_shared>>)
        tpu.yield
      }) : () -> ()
    }
    %scan3A_11 = arith.constant 40 : i32
    %mul3A_12 = arith.constant 16 : i32
    %mul3A_13 = arith.muli %arg1, %mul3A_12 : i32
    "tpu.region"() ({
      %run_scoped3A = tpu.sem_alloc : memref<!tpu.dma_semaphore, #tpu.memory_space<semaphore_mem>>
      %dma_start3A = arith.constant 0 : i32
      %dma_start3A_29 = tpu.memref_slice %arg17[%mul3A_13, %dma_start3A] : memref<256x128xf32, #tpu.memory_space<vmem_shared>> -> memref<16x128xf32, #tpu.memory_space<vmem_shared>>
      %dma_start3A_30 = arith.constant 0 : i32
      %dma_start3A_31 = tpu.memref_slice %arg17[%mul3A_13, %dma_start3A_30] : memref<256x128xf32, #tpu.memory_space<vmem_shared>> -> memref<16x128xf32, #tpu.memory_space<vmem_shared>>
      tpu.enqueue_dma source(%arg15 : memref<16x128xf32, #tpu.memory_space<vmem>>) target(%dma_start3A_31 : memref<16x128xf32, #tpu.memory_space<vmem_shared>>) target_semaphore(%run_scoped3A : memref<!tpu.dma_semaphore, #tpu.memory_space<semaphore_mem>>)
      %dma_wait3A = arith.constant 0 : i32
      %dma_wait3A_32 = tpu.memref_slice %arg17[%mul3A_13, %dma_wait3A] : memref<256x128xf32, #tpu.memory_space<vmem_shared>> -> memref<16x128xf32, #tpu.memory_space<vmem_shared>>
      %dma_wait3A_33 = arith.constant 0 : i32
      %dma_wait3A_34 = tpu.memref_slice %arg17[%mul3A_13, %dma_wait3A_33] : memref<256x128xf32, #tpu.memory_space<vmem_shared>> -> memref<16x128xf32, #tpu.memory_space<vmem_shared>>
      tpu.wait_dma2 semaphore(%run_scoped3A : memref<!tpu.dma_semaphore, #tpu.memory_space<semaphore_mem>>) src(%arg15 : memref<16x128xf32, #tpu.memory_space<vmem>>) dst(%dma_wait3A_34 : memref<16x128xf32, #tpu.memory_space<vmem_shared>>)
      tpu.yield
    }) : () -> ()
    %barrier3A = arith.constant 0 : index
    tpu.barrier barrier_id(%barrier3A)
    %iota3A = tpu.iota {dimensions = array<i32: 0>} : vector<16xi32>
    %scan3A_14 = arith.constant 0 : i32
    %scan3A_15 = arith.constant 0 : i32
    %scan3A_16 = arith.constant 125 : i32
    %scan3A_17 = arith.addi %scan3A_15, %scan3A_16 : i32
    %scan3A_18 = arith.constant 1 : i32
    scf.for %scan3A_29 = %scan3A_15 to %scan3A_17 step %scan3A_18  : i32 {
      %mul3A_30 = arith.constant 10000 : i32
      %mul3A_31 = arith.muli %add3A, %mul3A_30 : i32
      %mul3A_32 = arith.constant 80 : i32
      %mul3A_33 = arith.muli %scan3A_29, %mul3A_32 : i32
      %add3A_34 = arith.addi %mul3A_31, %mul3A_33 : i32
      %multiple_of3A = tpu.assume_multiple %add3A_34, 8 : i32
      %dma_start3A = tpu.memref_slice %arg5[%multiple_of3A] : memref<320000xi32, #tpu.memory_space<hbm>> -> memref<80xi32, #tpu.memory_space<hbm>>
      %dma_start3A_35 = tpu.memref_slice %arg5[%multiple_of3A] : memref<320000xi32, #tpu.memory_space<hbm>> -> memref<80xi32, #tpu.memory_space<hbm>>
      tpu.enqueue_dma source(%dma_start3A_35 : memref<80xi32, #tpu.memory_space<hbm>>) target(%arg9 : memref<80xi32, #tpu.memory_space<vmem>>) target_semaphore(%arg21 : memref<!tpu.dma_semaphore, #tpu.memory_space<semaphore_mem>>)
      %dma_start3A_36 = tpu.memref_slice %arg6[%multiple_of3A] : memref<320000xi32, #tpu.memory_space<hbm>> -> memref<80xi32, #tpu.memory_space<hbm>>
      %dma_start3A_37 = tpu.memref_slice %arg6[%multiple_of3A] : memref<320000xi32, #tpu.memory_space<hbm>> -> memref<80xi32, #tpu.memory_space<hbm>>
      tpu.enqueue_dma source(%dma_start3A_37 : memref<80xi32, #tpu.memory_space<hbm>>) target(%arg10 : memref<80xi32, #tpu.memory_space<vmem>>) target_semaphore(%arg22 : memref<!tpu.dma_semaphore, #tpu.memory_space<semaphore_mem>>)
      %dma_start3A_38 = arith.constant 0 : i32
      %dma_start3A_39 = tpu.memref_slice %arg4[%multiple_of3A, %dma_start3A_38] : memref<320000x128xf32, #tpu.memory_space<hbm>> -> memref<80x128xf32, #tpu.memory_space<hbm>>
      %dma_start3A_40 = arith.constant 0 : i32
      %dma_start3A_41 = tpu.memref_slice %arg4[%multiple_of3A, %dma_start3A_40] : memref<320000x128xf32, #tpu.memory_space<hbm>> -> memref<80x128xf32, #tpu.memory_space<hbm>>
      tpu.enqueue_dma source(%dma_start3A_41 : memref<80x128xf32, #tpu.memory_space<hbm>>) target(%arg13 : memref<80x128xf32, #tpu.memory_space<vmem>>) target_semaphore(%arg20 : memref<!tpu.dma_semaphore, #tpu.memory_space<semaphore_mem>>)
      %dma_wait3A = tpu.memref_slice %arg5[%multiple_of3A] : memref<320000xi32, #tpu.memory_space<hbm>> -> memref<80xi32, #tpu.memory_space<hbm>>
      %dma_wait3A_42 = tpu.memref_slice %arg5[%multiple_of3A] : memref<320000xi32, #tpu.memory_space<hbm>> -> memref<80xi32, #tpu.memory_space<hbm>>
      tpu.wait_dma2 semaphore(%arg21 : memref<!tpu.dma_semaphore, #tpu.memory_space<semaphore_mem>>) src(%dma_wait3A_42 : memref<80xi32, #tpu.memory_space<hbm>>) dst(%arg9 : memref<80xi32, #tpu.memory_space<vmem>>)
      %dma_wait3A_43 = tpu.memref_slice %arg6[%multiple_of3A] : memref<320000xi32, #tpu.memory_space<hbm>> -> memref<80xi32, #tpu.memory_space<hbm>>
      %dma_wait3A_44 = tpu.memref_slice %arg6[%multiple_of3A] : memref<320000xi32, #tpu.memory_space<hbm>> -> memref<80xi32, #tpu.memory_space<hbm>>
      tpu.wait_dma2 semaphore(%arg22 : memref<!tpu.dma_semaphore, #tpu.memory_space<semaphore_mem>>) src(%dma_wait3A_44 : memref<80xi32, #tpu.memory_space<hbm>>) dst(%arg10 : memref<80xi32, #tpu.memory_space<vmem>>)
      %dma_start3A_45 = arith.constant 0 : i32
      %dma_start3A_46 = arith.constant 0 : i32
      %dma_start3A_47 = tpu.memref_slice %arg2[%dma_start3A_45, %dma_start3A_46] : memref<10000x256xf32, #tpu.memory_space<hbm>> -> memref<10000x256xf32, #tpu.memory_space<hbm>>
      tpu.enqueue_indirect_dma source(%dma_start3A_47 : memref<10000x256xf32, #tpu.memory_space<hbm>>) target(%arg11 : memref<80x256xf32, #tpu.memory_space<vmem>>) offsets(%arg9 : memref<80xi32, #tpu.memory_space<vmem>>) semaphore(%arg18 : memref<!tpu.dma_semaphore, #tpu.memory_space<semaphore_mem>>)
      %dma_start3A_48 = arith.constant 0 : i32
      %dma_start3A_49 = arith.constant 0 : i32
      %dma_start3A_50 = tpu.memref_slice %arg3[%dma_start3A_48, %dma_start3A_49] : memref<10000x128xf32, #tpu.memory_space<hbm>> -> memref<10000x128xf32, #tpu.memory_space<hbm>>
      tpu.enqueue_indirect_dma source(%dma_start3A_50 : memref<10000x128xf32, #tpu.memory_space<hbm>>) target(%arg12 : memref<80x128xf32, #tpu.memory_space<vmem>>) offsets(%arg10 : memref<80xi32, #tpu.memory_space<vmem>>) semaphore(%arg19 : memref<!tpu.dma_semaphore, #tpu.memory_space<semaphore_mem>>)
      %dma_wait3A_51 = arith.constant 0 : i32
      %dma_wait3A_52 = arith.constant 0 : i32
      %dma_wait3A_53 = tpu.memref_slice %arg2[%dma_wait3A_51, %dma_wait3A_52] : memref<10000x256xf32, #tpu.memory_space<hbm>> -> memref<10000x256xf32, #tpu.memory_space<hbm>>
      tpu.wait_indirect_dma semaphore(%arg18 : memref<!tpu.dma_semaphore, #tpu.memory_space<semaphore_mem>>) src(%dma_wait3A_53 : memref<10000x256xf32, #tpu.memory_space<hbm>>) dst(%arg11 : memref<80x256xf32, #tpu.memory_space<vmem>>)
      %dma_wait3A_54 = arith.constant 0 : i32
      %dma_wait3A_55 = arith.constant 0 : i32
      %dma_wait3A_56 = tpu.memref_slice %arg3[%dma_wait3A_54, %dma_wait3A_55] : memref<10000x128xf32, #tpu.memory_space<hbm>> -> memref<10000x128xf32, #tpu.memory_space<hbm>>
      tpu.wait_indirect_dma semaphore(%arg19 : memref<!tpu.dma_semaphore, #tpu.memory_space<semaphore_mem>>) src(%dma_wait3A_56 : memref<10000x128xf32, #tpu.memory_space<hbm>>) dst(%arg12 : memref<80x128xf32, #tpu.memory_space<vmem>>)
      %dma_wait3A_57 = arith.constant 0 : i32
      %dma_wait3A_58 = tpu.memref_slice %arg4[%multiple_of3A, %dma_wait3A_57] : memref<320000x128xf32, #tpu.memory_space<hbm>> -> memref<80x128xf32, #tpu.memory_space<hbm>>
      %dma_wait3A_59 = arith.constant 0 : i32
      %dma_wait3A_60 = tpu.memref_slice %arg4[%multiple_of3A, %dma_wait3A_59] : memref<320000x128xf32, #tpu.memory_space<hbm>> -> memref<80x128xf32, #tpu.memory_space<hbm>>
      tpu.wait_dma2 semaphore(%arg20 : memref<!tpu.dma_semaphore, #tpu.memory_space<semaphore_mem>>) src(%dma_wait3A_60 : memref<80x128xf32, #tpu.memory_space<hbm>>) dst(%arg13 : memref<80x128xf32, #tpu.memory_space<vmem>>)
      %get3A = arith.constant 0 : index
      %get3A_61 = tpu.vector_load %arg10[%get3A] {strides = array<i32>} : memref<80xi32, #tpu.memory_space<vmem>>, vector<16xi32>,
      %get3A_62 = vector.shape_cast %get3A_61 : vector<16xi32> to vector<16xi32>
      %shift_right_logical3A = arith.constant 6 : i32
      %shift_right_logical3A_63 = vector.broadcast %shift_right_logical3A : i32 to vector<16xi32>
      %shift_right_logical3A_64 = arith.shrui %get3A_62, %shift_right_logical3A_63 : vector<16xi32>
      %swap3A = arith.constant 0 : index
      %swap3A_65 = tpu.vector_load %arg14[%swap3A] {strides = array<i32>} : memref<80xi32, #tpu.memory_space<vmem>>, vector<16xi32>,
      %swap3A_66 = vector.shape_cast %swap3A_65 : vector<16xi32> to vector<16xi32>
      %swap3A_67 = vector.shape_cast %shift_right_logical3A_64 : vector<16xi32> to vector<16xi32>
      tpu.vector_store %arg14[%swap3A], %swap3A_67 {strides = array<i32>} : memref<80xi32, #tpu.memory_space<vmem>>, vector<16xi32>,
      %get3A_68 = arith.constant 16 : index
      %get3A_69 = tpu.vector_load %arg10[%get3A_68] {strides = array<i32>} : memref<80xi32, #tpu.memory_space<vmem>>, vector<16xi32>,
      %get3A_70 = vector.shape_cast %get3A_69 : vector<16xi32> to vector<16xi32>
      %shift_right_logical3A_71 = arith.constant 6 : i32
      %shift_right_logical3A_72 = vector.broadcast %shift_right_logical3A_71 : i32 to vector<16xi32>
      %shift_right_logical3A_73 = arith.shrui %get3A_70, %shift_right_logical3A_72 : vector<16xi32>
      %swap3A_74 = arith.constant 16 : index
      %swap3A_75 = tpu.vector_load %arg14[%swap3A_74] {strides = array<i32>} : memref<80xi32, #tpu.memory_space<vmem>>, vector<16xi32>,
      %swap3A_76 = vector.shape_cast %swap3A_75 : vector<16xi32> to vector<16xi32>
      %swap3A_77 = vector.shape_cast %shift_right_logical3A_73 : vector<16xi32> to vector<16xi32>
      tpu.vector_store %arg14[%swap3A_74], %swap3A_77 {strides = array<i32>} : memref<80xi32, #tpu.memory_space<vmem>>, vector<16xi32>,
      %get3A_78 = arith.constant 32 : index
      %get3A_79 = tpu.vector_load %arg10[%get3A_78] {strides = array<i32>} : memref<80xi32, #tpu.memory_space<vmem>>, vector<16xi32>,
      %get3A_80 = vector.shape_cast %get3A_79 : vector<16xi32> to vector<16xi32>
      %shift_right_logical3A_81 = arith.constant 6 : i32
      %shift_right_logical3A_82 = vector.broadcast %shift_right_logical3A_81 : i32 to vector<16xi32>
      %shift_right_logical3A_83 = arith.shrui %get3A_80, %shift_right_logical3A_82 : vector<16xi32>
      %swap3A_84 = arith.constant 32 : index
      %swap3A_85 = tpu.vector_load %arg14[%swap3A_84] {strides = array<i32>} : memref<80xi32, #tpu.memory_space<vmem>>, vector<16xi32>,
      %swap3A_86 = vector.shape_cast %swap3A_85 : vector<16xi32> to vector<16xi32>
      %swap3A_87 = vector.shape_cast %shift_right_logical3A_83 : vector<16xi32> to vector<16xi32>
      tpu.vector_store %arg14[%swap3A_84], %swap3A_87 {strides = array<i32>} : memref<80xi32, #tpu.memory_space<vmem>>, vector<16xi32>,
      %get3A_88 = arith.constant 48 : index
      %get3A_89 = tpu.vector_load %arg10[%get3A_88] {strides = array<i32>} : memref<80xi32, #tpu.memory_space<vmem>>, vector<16xi32>,
      %get3A_90 = vector.shape_cast %get3A_89 : vector<16xi32> to vector<16xi32>
      %shift_right_logical3A_91 = arith.constant 6 : i32
      %shift_right_logical3A_92 = vector.broadcast %shift_right_logical3A_91 : i32 to vector<16xi32>
      %shift_right_logical3A_93 = arith.shrui %get3A_90, %shift_right_logical3A_92 : vector<16xi32>
      %swap3A_94 = arith.constant 48 : index
      %swap3A_95 = tpu.vector_load %arg14[%swap3A_94] {strides = array<i32>} : memref<80xi32, #tpu.memory_space<vmem>>, vector<16xi32>,
      %swap3A_96 = vector.shape_cast %swap3A_95 : vector<16xi32> to vector<16xi32>
      %swap3A_97 = vector.shape_cast %shift_right_logical3A_93 : vector<16xi32> to vector<16xi32>
      tpu.vector_store %arg14[%swap3A_94], %swap3A_97 {strides = array<i32>} : memref<80xi32, #tpu.memory_space<vmem>>, vector<16xi32>,
      %get3A_98 = arith.constant 64 : index
      %get3A_99 = tpu.vector_load %arg10[%get3A_98] {strides = array<i32>} : memref<80xi32, #tpu.memory_space<vmem>>, vector<16xi32>,
      %get3A_100 = vector.shape_cast %get3A_99 : vector<16xi32> to vector<16xi32>
      %shift_right_logical3A_101 = arith.constant 6 : i32
      %shift_right_logical3A_102 = vector.broadcast %shift_right_logical3A_101 : i32 to vector<16xi32>
      %shift_right_logical3A_103 = arith.shrui %get3A_100, %shift_right_logical3A_102 : vector<16xi32>
      %swap3A_104 = arith.constant 64 : index
      %swap3A_105 = tpu.vector_load %arg14[%swap3A_104] {strides = array<i32>} : memref<80xi32, #tpu.memory_space<vmem>>, vector<16xi32>,
      %swap3A_106 = vector.shape_cast %swap3A_105 : vector<16xi32> to vector<16xi32>
      %swap3A_107 = vector.shape_cast %shift_right_logical3A_103 : vector<16xi32> to vector<16xi32>
      tpu.vector_store %arg14[%swap3A_104], %swap3A_107 {strides = array<i32>} : memref<80xi32, #tpu.memory_space<vmem>>, vector<16xi32>,
      %scan3A_108 = arith.constant 0 : i32
      %scan3A_109 = arith.constant 0 : i32
      %scan3A_110 = arith.constant 80 : i32
      %scan3A_111 = arith.addi %scan3A_109, %scan3A_110 : i32
      %scan3A_112 = arith.constant 1 : i32
      scf.for %scan3A_126 = %scan3A_109 to %scan3A_111 step %scan3A_112  : i32 {
        %broadcast_in_dim3A = arith.constant 0.000000e+00 : f32
        %broadcast_in_dim3A_127 = vector.broadcast %broadcast_in_dim3A : f32 to vector<16xf32>
        %broadcast_in_dim3A_128 = arith.constant 0.000000e+00 : f32
        %broadcast_in_dim3A_129 = vector.broadcast %broadcast_in_dim3A_128 : f32 to vector<16xf32>
        %get3A_130 = arith.index_cast %scan3A_126 : i32 to index
        %get3A_131 = arith.constant 0 : index
        %get3A_132 = tpu.vector_load %arg12[%get3A_130, %get3A_131] {strides = array<i32>} : memref<80x128xf32, #tpu.memory_space<vmem>>, vector<1x16xf32>,
        %get3A_133 = vector.shape_cast %get3A_132 : vector<1x16xf32> to vector<16xf32>
        %get3A_134 = arith.index_cast %scan3A_126 : i32 to index
        %get3A_135 = arith.constant 0 : index
        %get3A_136 = tpu.vector_load %arg11[%get3A_134, %get3A_135] {strides = array<i32>} : memref<80x256xf32, #tpu.memory_space<vmem>>, vector<1x16xf32>,
        %get3A_137 = vector.shape_cast %get3A_136 : vector<1x16xf32> to vector<16xf32>
        %get3A_138 = arith.index_cast %scan3A_126 : i32 to index
        %get3A_139 = arith.constant 0 : index
        %get3A_140 = tpu.vector_load %arg13[%get3A_138, %get3A_139] {strides = array<i32>} : memref<80x128xf32, #tpu.memory_space<vmem>>, vector<1x16xf32>,
        %get3A_141 = vector.shape_cast %get3A_140 : vector<1x16xf32> to vector<16xf32>
        %add3A_142 = arith.addf %get3A_137, %get3A_141 : vector<16xf32>
        %mul3A_143 = arith.mulf %get3A_133, %add3A_142 : vector<16xf32>
        %add3A_144 = arith.addf %broadcast_in_dim3A_127, %mul3A_143 : vector<16xf32>
        %get3A_145 = arith.index_cast %scan3A_126 : i32 to index
        %get3A_146 = arith.constant 16 : index
        %get3A_147 = tpu.vector_load %arg12[%get3A_145, %get3A_146] {strides = array<i32>} : memref<80x128xf32, #tpu.memory_space<vmem>>, vector<1x16xf32>,
        %get3A_148 = vector.shape_cast %get3A_147 : vector<1x16xf32> to vector<16xf32>
        %get3A_149 = arith.index_cast %scan3A_126 : i32 to index
        %get3A_150 = arith.constant 16 : index
        %get3A_151 = tpu.vector_load %arg11[%get3A_149, %get3A_150] {strides = array<i32>} : memref<80x256xf32, #tpu.memory_space<vmem>>, vector<1x16xf32>,
        %get3A_152 = vector.shape_cast %get3A_151 : vector<1x16xf32> to vector<16xf32>
        %get3A_153 = arith.index_cast %scan3A_126 : i32 to index
        %get3A_154 = arith.constant 16 : index
        %get3A_155 = tpu.vector_load %arg13[%get3A_153, %get3A_154] {strides = array<i32>} : memref<80x128xf32, #tpu.memory_space<vmem>>, vector<1x16xf32>,
        %get3A_156 = vector.shape_cast %get3A_155 : vector<1x16xf32> to vector<16xf32>
        %add3A_157 = arith.addf %get3A_152, %get3A_156 : vector<16xf32>
        %mul3A_158 = arith.mulf %get3A_148, %add3A_157 : vector<16xf32>
        %add3A_159 = arith.addf %add3A_144, %mul3A_158 : vector<16xf32>
        %get3A_160 = arith.index_cast %scan3A_126 : i32 to index
        %get3A_161 = arith.constant 32 : index
        %get3A_162 = tpu.vector_load %arg12[%get3A_160, %get3A_161] {strides = array<i32>} : memref<80x128xf32, #tpu.memory_space<vmem>>, vector<1x16xf32>,
        %get3A_163 = vector.shape_cast %get3A_162 : vector<1x16xf32> to vector<16xf32>
        %get3A_164 = arith.index_cast %scan3A_126 : i32 to index
        %get3A_165 = arith.constant 32 : index
        %get3A_166 = tpu.vector_load %arg11[%get3A_164, %get3A_165] {strides = array<i32>} : memref<80x256xf32, #tpu.memory_space<vmem>>, vector<1x16xf32>,
        %get3A_167 = vector.shape_cast %get3A_166 : vector<1x16xf32> to vector<16xf32>
        %get3A_168 = arith.index_cast %scan3A_126 : i32 to index
        %get3A_169 = arith.constant 32 : index
        %get3A_170 = tpu.vector_load %arg13[%get3A_168, %get3A_169] {strides = array<i32>} : memref<80x128xf32, #tpu.memory_space<vmem>>, vector<1x16xf32>,
        %get3A_171 = vector.shape_cast %get3A_170 : vector<1x16xf32> to vector<16xf32>
        %add3A_172 = arith.addf %get3A_167, %get3A_171 : vector<16xf32>
        %mul3A_173 = arith.mulf %get3A_163, %add3A_172 : vector<16xf32>
        %add3A_174 = arith.addf %add3A_159, %mul3A_173 : vector<16xf32>
        %get3A_175 = arith.index_cast %scan3A_126 : i32 to index
        %get3A_176 = arith.constant 48 : index
        %get3A_177 = tpu.vector_load %arg12[%get3A_175, %get3A_176] {strides = array<i32>} : memref<80x128xf32, #tpu.memory_space<vmem>>, vector<1x16xf32>,
        %get3A_178 = vector.shape_cast %get3A_177 : vector<1x16xf32> to vector<16xf32>
        %get3A_179 = arith.index_cast %scan3A_126 : i32 to index
        %get3A_180 = arith.constant 48 : index
        %get3A_181 = tpu.vector_load %arg11[%get3A_179, %get3A_180] {strides = array<i32>} : memref<80x256xf32, #tpu.memory_space<vmem>>, vector<1x16xf32>,
        %get3A_182 = vector.shape_cast %get3A_181 : vector<1x16xf32> to vector<16xf32>
        %get3A_183 = arith.index_cast %scan3A_126 : i32 to index
        %get3A_184 = arith.constant 48 : index
        %get3A_185 = tpu.vector_load %arg13[%get3A_183, %get3A_184] {strides = array<i32>} : memref<80x128xf32, #tpu.memory_space<vmem>>, vector<1x16xf32>,
        %get3A_186 = vector.shape_cast %get3A_185 : vector<1x16xf32> to vector<16xf32>
        %add3A_187 = arith.addf %get3A_182, %get3A_186 : vector<16xf32>
        %mul3A_188 = arith.mulf %get3A_178, %add3A_187 : vector<16xf32>
        %add3A_189 = arith.addf %add3A_174, %mul3A_188 : vector<16xf32>
        %get3A_190 = arith.index_cast %scan3A_126 : i32 to index
        %get3A_191 = arith.constant 64 : index
        %get3A_192 = tpu.vector_load %arg12[%get3A_190, %get3A_191] {strides = array<i32>} : memref<80x128xf32, #tpu.memory_space<vmem>>, vector<1x16xf32>,
        %get3A_193 = vector.shape_cast %get3A_192 : vector<1x16xf32> to vector<16xf32>
        %get3A_194 = arith.index_cast %scan3A_126 : i32 to index
        %get3A_195 = arith.constant 64 : index
        %get3A_196 = tpu.vector_load %arg11[%get3A_194, %get3A_195] {strides = array<i32>} : memref<80x256xf32, #tpu.memory_space<vmem>>, vector<1x16xf32>,
        %get3A_197 = vector.shape_cast %get3A_196 : vector<1x16xf32> to vector<16xf32>
        %get3A_198 = arith.index_cast %scan3A_126 : i32 to index
        %get3A_199 = arith.constant 64 : index
        %get3A_200 = tpu.vector_load %arg13[%get3A_198, %get3A_199] {strides = array<i32>} : memref<80x128xf32, #tpu.memory_space<vmem>>, vector<1x16xf32>,
        %get3A_201 = vector.shape_cast %get3A_200 : vector<1x16xf32> to vector<16xf32>
        %add3A_202 = arith.addf %get3A_197, %get3A_201 : vector<16xf32>
        %mul3A_203 = arith.mulf %get3A_193, %add3A_202 : vector<16xf32>
        %add3A_204 = arith.addf %broadcast_in_dim3A_129, %mul3A_203 : vector<16xf32>
        %get3A_205 = arith.index_cast %scan3A_126 : i32 to index
        %get3A_206 = arith.constant 80 : index
        %get3A_207 = tpu.vector_load %arg12[%get3A_205, %get3A_206] {strides = array<i32>} : memref<80x128xf32, #tpu.memory_space<vmem>>, vector<1x16xf32>,
        %get3A_208 = vector.shape_cast %get3A_207 : vector<1x16xf32> to vector<16xf32>
        %get3A_209 = arith.index_cast %scan3A_126 : i32 to index
        %get3A_210 = arith.constant 80 : index
        %get3A_211 = tpu.vector_load %arg11[%get3A_209, %get3A_210] {strides = array<i32>} : memref<80x256xf32, #tpu.memory_space<vmem>>, vector<1x16xf32>,
        %get3A_212 = vector.shape_cast %get3A_211 : vector<1x16xf32> to vector<16xf32>
        %get3A_213 = arith.index_cast %scan3A_126 : i32 to index
        %get3A_214 = arith.constant 80 : index
        %get3A_215 = tpu.vector_load %arg13[%get3A_213, %get3A_214] {strides = array<i32>} : memref<80x128xf32, #tpu.memory_space<vmem>>, vector<1x16xf32>,
        %get3A_216 = vector.shape_cast %get3A_215 : vector<1x16xf32> to vector<16xf32>
        %add3A_217 = arith.addf %get3A_212, %get3A_216 : vector<16xf32>
        %mul3A_218 = arith.mulf %get3A_208, %add3A_217 : vector<16xf32>
        %add3A_219 = arith.addf %add3A_204, %mul3A_218 : vector<16xf32>
        %get3A_220 = arith.index_cast %scan3A_126 : i32 to index
        %get3A_221 = arith.constant 96 : index
        %get3A_222 = tpu.vector_load %arg12[%get3A_220, %get3A_221] {strides = array<i32>} : memref<80x128xf32, #tpu.memory_space<vmem>>, vector<1x16xf32>,
        %get3A_223 = vector.shape_cast %get3A_222 : vector<1x16xf32> to vector<16xf32>
        %get3A_224 = arith.index_cast %scan3A_126 : i32 to index
        %get3A_225 = arith.constant 96 : index
        %get3A_226 = tpu.vector_load %arg11[%get3A_224, %get3A_225] {strides = array<i32>} : memref<80x256xf32, #tpu.memory_space<vmem>>, vector<1x16xf32>,
        %get3A_227 = vector.shape_cast %get3A_226 : vector<1x16xf32> to vector<16xf32>
        %get3A_228 = arith.index_cast %scan3A_126 : i32 to index
        %get3A_229 = arith.constant 96 : index
        %get3A_230 = tpu.vector_load %arg13[%get3A_228, %get3A_229] {strides = array<i32>} : memref<80x128xf32, #tpu.memory_space<vmem>>, vector<1x16xf32>,
        %get3A_231 = vector.shape_cast %get3A_230 : vector<1x16xf32> to vector<16xf32>
        %add3A_232 = arith.addf %get3A_227, %get3A_231 : vector<16xf32>
        %mul3A_233 = arith.mulf %get3A_223, %add3A_232 : vector<16xf32>
        %add3A_234 = arith.addf %add3A_219, %mul3A_233 : vector<16xf32>
        %get3A_235 = arith.index_cast %scan3A_126 : i32 to index
        %get3A_236 = arith.constant 112 : index
        %get3A_237 = tpu.vector_load %arg12[%get3A_235, %get3A_236] {strides = array<i32>} : memref<80x128xf32, #tpu.memory_space<vmem>>, vector<1x16xf32>,
        %get3A_238 = vector.shape_cast %get3A_237 : vector<1x16xf32> to vector<16xf32>
        %get3A_239 = arith.index_cast %scan3A_126 : i32 to index
        %get3A_240 = arith.constant 112 : index
        %get3A_241 = tpu.vector_load %arg11[%get3A_239, %get3A_240] {strides = array<i32>} : memref<80x256xf32, #tpu.memory_space<vmem>>, vector<1x16xf32>,
        %get3A_242 = vector.shape_cast %get3A_241 : vector<1x16xf32> to vector<16xf32>
        %get3A_243 = arith.index_cast %scan3A_126 : i32 to index
        %get3A_244 = arith.constant 112 : index
        %get3A_245 = tpu.vector_load %arg13[%get3A_243, %get3A_244] {strides = array<i32>} : memref<80x128xf32, #tpu.memory_space<vmem>>, vector<1x16xf32>,
        %get3A_246 = vector.shape_cast %get3A_245 : vector<1x16xf32> to vector<16xf32>
        %add3A_247 = arith.addf %get3A_242, %get3A_246 : vector<16xf32>
        %mul3A_248 = arith.mulf %get3A_238, %add3A_247 : vector<16xf32>
        %add3A_249 = arith.addf %add3A_234, %mul3A_248 : vector<16xf32>
        %xor3A = arith.constant 1 : i32
        %xor3A_250 = vector.broadcast %xor3A : i32 to vector<16xi32>
        %xor3A_251 = arith.xori %iota3A, %xor3A_250 : vector<16xi32>
        %lt3A = arith.constant 0 : i32
        %lt3A_252 = vector.broadcast %lt3A : i32 to vector<16xi32>
        %lt3A_253 = arith.cmpi slt, %xor3A_251, %lt3A_252 : vector<16xi32>
        %add3A_254 = arith.constant 16 : i32
        %add3A_255 = vector.broadcast %add3A_254 : i32 to vector<16xi32>
        %add3A_256 = arith.addi %xor3A_251, %add3A_255 : vector<16xi32>
        %select_n3A = arith.select %lt3A_253, %add3A_256, %xor3A_251 : vector<16xi1>, vector<16xi32>
        %broadcast_in_dim3A_257 = vector.shape_cast %select_n3A : vector<16xi32> to vector<16x1xi32>
        %gather3A = vector.shape_cast %broadcast_in_dim3A_257 : vector<16x1xi32> to vector<16xi32>
        %gather3A_258 = tpu.dynamic_gather %add3A_189[%gather3A] in [0] : vector<16xf32>, vector<16xi32> -> vector<16xf32>
        %add3A_259 = arith.addf %add3A_189, %gather3A_258 : vector<16xf32>
        %xor3A_260 = arith.constant 2 : i32
        %xor3A_261 = vector.broadcast %xor3A_260 : i32 to vector<16xi32>
        %xor3A_262 = arith.xori %iota3A, %xor3A_261 : vector<16xi32>
        %lt3A_263 = arith.constant 0 : i32
        %lt3A_264 = vector.broadcast %lt3A_263 : i32 to vector<16xi32>
        %lt3A_265 = arith.cmpi slt, %xor3A_262, %lt3A_264 : vector<16xi32>
        %add3A_266 = arith.constant 16 : i32
        %add3A_267 = vector.broadcast %add3A_266 : i32 to vector<16xi32>
        %add3A_268 = arith.addi %xor3A_262, %add3A_267 : vector<16xi32>
        %select_n3A_269 = arith.select %lt3A_265, %add3A_268, %xor3A_262 : vector<16xi1>, vector<16xi32>
        %broadcast_in_dim3A_270 = vector.shape_cast %select_n3A_269 : vector<16xi32> to vector<16x1xi32>
        %gather3A_271 = vector.shape_cast %broadcast_in_dim3A_270 : vector<16x1xi32> to vector<16xi32>
        %gather3A_272 = tpu.dynamic_gather %add3A_259[%gather3A_271] in [0] : vector<16xf32>, vector<16xi32> -> vector<16xf32>
        %add3A_273 = arith.addf %add3A_259, %gather3A_272 : vector<16xf32>
        %xor3A_274 = arith.constant 4 : i32
        %xor3A_275 = vector.broadcast %xor3A_274 : i32 to vector<16xi32>
        %xor3A_276 = arith.xori %iota3A, %xor3A_275 : vector<16xi32>
        %lt3A_277 = arith.constant 0 : i32
        %lt3A_278 = vector.broadcast %lt3A_277 : i32 to vector<16xi32>
        %lt3A_279 = arith.cmpi slt, %xor3A_276, %lt3A_278 : vector<16xi32>
        %add3A_280 = arith.constant 16 : i32
        %add3A_281 = vector.broadcast %add3A_280 : i32 to vector<16xi32>
        %add3A_282 = arith.addi %xor3A_276, %add3A_281 : vector<16xi32>
        %select_n3A_283 = arith.select %lt3A_279, %add3A_282, %xor3A_276 : vector<16xi1>, vector<16xi32>
        %broadcast_in_dim3A_284 = vector.shape_cast %select_n3A_283 : vector<16xi32> to vector<16x1xi32>
        %gather3A_285 = vector.shape_cast %broadcast_in_dim3A_284 : vector<16x1xi32> to vector<16xi32>
        %gather3A_286 = tpu.dynamic_gather %add3A_273[%gather3A_285] in [0] : vector<16xf32>, vector<16xi32> -> vector<16xf32>
        %add3A_287 = arith.addf %add3A_273, %gather3A_286 : vector<16xf32>
        %xor3A_288 = arith.constant 8 : i32
        %xor3A_289 = vector.broadcast %xor3A_288 : i32 to vector<16xi32>
        %xor3A_290 = arith.xori %iota3A, %xor3A_289 : vector<16xi32>
        %lt3A_291 = arith.constant 0 : i32
        %lt3A_292 = vector.broadcast %lt3A_291 : i32 to vector<16xi32>
        %lt3A_293 = arith.cmpi slt, %xor3A_290, %lt3A_292 : vector<16xi32>
        %add3A_294 = arith.constant 16 : i32
        %add3A_295 = vector.broadcast %add3A_294 : i32 to vector<16xi32>
        %add3A_296 = arith.addi %xor3A_290, %add3A_295 : vector<16xi32>
        %select_n3A_297 = arith.select %lt3A_293, %add3A_296, %xor3A_290 : vector<16xi1>, vector<16xi32>
        %broadcast_in_dim3A_298 = vector.shape_cast %select_n3A_297 : vector<16xi32> to vector<16x1xi32>
        %gather3A_299 = vector.shape_cast %broadcast_in_dim3A_298 : vector<16x1xi32> to vector<16xi32>
        %gather3A_300 = tpu.dynamic_gather %add3A_287[%gather3A_299] in [0] : vector<16xf32>, vector<16xi32> -> vector<16xf32>
        %add3A_301 = arith.addf %add3A_287, %gather3A_300 : vector<16xf32>
        %mul3A_302 = arith.constant 1.250000e-01 : f32
        %mul3A_303 = vector.broadcast %mul3A_302 : f32 to vector<16xf32>
        %mul3A_304 = arith.mulf %add3A_301, %mul3A_303 : vector<16xf32>
        %exp3A = math.exp %mul3A_304 : vector<16xf32>
        %xor3A_305 = arith.constant 1 : i32
        %xor3A_306 = vector.broadcast %xor3A_305 : i32 to vector<16xi32>
        %xor3A_307 = arith.xori %iota3A, %xor3A_306 : vector<16xi32>
        %lt3A_308 = arith.constant 0 : i32
        %lt3A_309 = vector.broadcast %lt3A_308 : i32 to vector<16xi32>
        %lt3A_310 = arith.cmpi slt, %xor3A_307, %lt3A_309 : vector<16xi32>
        %add3A_311 = arith.constant 16 : i32
        %add3A_312 = vector.broadcast %add3A_311 : i32 to vector<16xi32>
        %add3A_313 = arith.addi %xor3A_307, %add3A_312 : vector<16xi32>
        %select_n3A_314 = arith.select %lt3A_310, %add3A_313, %xor3A_307 : vector<16xi1>, vector<16xi32>
        %broadcast_in_dim3A_315 = vector.shape_cast %select_n3A_314 : vector<16xi32> to vector<16x1xi32>
        %gather3A_316 = vector.shape_cast %broadcast_in_dim3A_315 : vector<16x1xi32> to vector<16xi32>
        %gather3A_317 = tpu.dynamic_gather %add3A_249[%gather3A_316] in [0] : vector<16xf32>, vector<16xi32> -> vector<16xf32>
        %add3A_318 = arith.addf %add3A_249, %gather3A_317 : vector<16xf32>
        %xor3A_319 = arith.constant 2 : i32
        %xor3A_320 = vector.broadcast %xor3A_319 : i32 to vector<16xi32>
        %xor3A_321 = arith.xori %iota3A, %xor3A_320 : vector<16xi32>
        %lt3A_322 = arith.constant 0 : i32
        %lt3A_323 = vector.broadcast %lt3A_322 : i32 to vector<16xi32>
        %lt3A_324 = arith.cmpi slt, %xor3A_321, %lt3A_323 : vector<16xi32>
        %add3A_325 = arith.constant 16 : i32
        %add3A_326 = vector.broadcast %add3A_325 : i32 to vector<16xi32>
        %add3A_327 = arith.addi %xor3A_321, %add3A_326 : vector<16xi32>
        %select_n3A_328 = arith.select %lt3A_324, %add3A_327, %xor3A_321 : vector<16xi1>, vector<16xi32>
        %broadcast_in_dim3A_329 = vector.shape_cast %select_n3A_328 : vector<16xi32> to vector<16x1xi32>
        %gather3A_330 = vector.shape_cast %broadcast_in_dim3A_329 : vector<16x1xi32> to vector<16xi32>
        %gather3A_331 = tpu.dynamic_gather %add3A_318[%gather3A_330] in [0] : vector<16xf32>, vector<16xi32> -> vector<16xf32>
        %add3A_332 = arith.addf %add3A_318, %gather3A_331 : vector<16xf32>
        %xor3A_333 = arith.constant 4 : i32
        %xor3A_334 = vector.broadcast %xor3A_333 : i32 to vector<16xi32>
        %xor3A_335 = arith.xori %iota3A, %xor3A_334 : vector<16xi32>
        %lt3A_336 = arith.constant 0 : i32
        %lt3A_337 = vector.broadcast %lt3A_336 : i32 to vector<16xi32>
        %lt3A_338 = arith.cmpi slt, %xor3A_335, %lt3A_337 : vector<16xi32>
        %add3A_339 = arith.constant 16 : i32
        %add3A_340 = vector.broadcast %add3A_339 : i32 to vector<16xi32>
        %add3A_341 = arith.addi %xor3A_335, %add3A_340 : vector<16xi32>
        %select_n3A_342 = arith.select %lt3A_338, %add3A_341, %xor3A_335 : vector<16xi1>, vector<16xi32>
        %broadcast_in_dim3A_343 = vector.shape_cast %select_n3A_342 : vector<16xi32> to vector<16x1xi32>
        %gather3A_344 = vector.shape_cast %broadcast_in_dim3A_343 : vector<16x1xi32> to vector<16xi32>
        %gather3A_345 = tpu.dynamic_gather %add3A_332[%gather3A_344] in [0] : vector<16xf32>, vector<16xi32> -> vector<16xf32>
        %add3A_346 = arith.addf %add3A_332, %gather3A_345 : vector<16xf32>
        %xor3A_347 = arith.constant 8 : i32
        %xor3A_348 = vector.broadcast %xor3A_347 : i32 to vector<16xi32>
        %xor3A_349 = arith.xori %iota3A, %xor3A_348 : vector<16xi32>
        %lt3A_350 = arith.constant 0 : i32
        %lt3A_351 = vector.broadcast %lt3A_350 : i32 to vector<16xi32>
        %lt3A_352 = arith.cmpi slt, %xor3A_349, %lt3A_351 : vector<16xi32>
        %add3A_353 = arith.constant 16 : i32
        %add3A_354 = vector.broadcast %add3A_353 : i32 to vector<16xi32>
        %add3A_355 = arith.addi %xor3A_349, %add3A_354 : vector<16xi32>
        %select_n3A_356 = arith.select %lt3A_352, %add3A_355, %xor3A_349 : vector<16xi1>, vector<16xi32>
        %broadcast_in_dim3A_357 = vector.shape_cast %select_n3A_356 : vector<16xi32> to vector<16x1xi32>
        %gather3A_358 = vector.shape_cast %broadcast_in_dim3A_357 : vector<16x1xi32> to vector<16xi32>
        %gather3A_359 = tpu.dynamic_gather %add3A_346[%gather3A_358] in [0] : vector<16xf32>, vector<16xi32> -> vector<16xf32>
        %add3A_360 = arith.addf %add3A_346, %gather3A_359 : vector<16xf32>
        %mul3A_361 = arith.constant 1.250000e-01 : f32
        %mul3A_362 = vector.broadcast %mul3A_361 : f32 to vector<16xf32>
        %mul3A_363 = arith.mulf %add3A_360, %mul3A_362 : vector<16xf32>
        %exp3A_364 = math.exp %mul3A_363 : vector<16xf32>
        %get3A_365 = arith.index_cast %scan3A_126 : i32 to index
        %get3A_366 = arith.constant 128 : index
        %get3A_367 = tpu.vector_load %arg11[%get3A_365, %get3A_366] {strides = array<i32>} : memref<80x256xf32, #tpu.memory_space<vmem>>, vector<1x16xf32>,
        %get3A_368 = vector.shape_cast %get3A_367 : vector<1x16xf32> to vector<16xf32>
        %get3A_369 = arith.index_cast %scan3A_126 : i32 to index
        %get3A_370 = arith.constant 0 : index
        %get3A_371 = tpu.vector_load %arg13[%get3A_369, %get3A_370] {strides = array<i32>} : memref<80x128xf32, #tpu.memory_space<vmem>>, vector<1x16xf32>,
        %get3A_372 = vector.shape_cast %get3A_371 : vector<1x16xf32> to vector<16xf32>
        %add3A_373 = arith.addf %get3A_368, %get3A_372 : vector<16xf32>
        %mul3A_374 = arith.mulf %exp3A, %add3A_373 : vector<16xf32>
        %swap3A_375 = arith.index_cast %scan3A_126 : i32 to index
        %swap3A_376 = arith.constant 0 : index
        %swap3A_377 = tpu.vector_load %arg13[%swap3A_375, %swap3A_376] {strides = array<i32>} : memref<80x128xf32, #tpu.memory_space<vmem>>, vector<1x16xf32>,
        %swap3A_378 = vector.shape_cast %swap3A_377 : vector<1x16xf32> to vector<16xf32>
        %swap3A_379 = vector.shape_cast %mul3A_374 : vector<16xf32> to vector<1x16xf32>
        tpu.vector_store %arg13[%swap3A_375, %swap3A_376], %swap3A_379 {strides = array<i32>} : memref<80x128xf32, #tpu.memory_space<vmem>>, vector<1x16xf32>,
        %get3A_380 = arith.index_cast %scan3A_126 : i32 to index
        %get3A_381 = arith.constant 144 : index
        %get3A_382 = tpu.vector_load %arg11[%get3A_380, %get3A_381] {strides = array<i32>} : memref<80x256xf32, #tpu.memory_space<vmem>>, vector<1x16xf32>,
        %get3A_383 = vector.shape_cast %get3A_382 : vector<1x16xf32> to vector<16xf32>
        %get3A_384 = arith.index_cast %scan3A_126 : i32 to index
        %get3A_385 = arith.constant 16 : index
        %get3A_386 = tpu.vector_load %arg13[%get3A_384, %get3A_385] {strides = array<i32>} : memref<80x128xf32, #tpu.memory_space<vmem>>, vector<1x16xf32>,
        %get3A_387 = vector.shape_cast %get3A_386 : vector<1x16xf32> to vector<16xf32>
        %add3A_388 = arith.addf %get3A_383, %get3A_387 : vector<16xf32>
        %mul3A_389 = arith.mulf %exp3A, %add3A_388 : vector<16xf32>
        %swap3A_390 = arith.index_cast %scan3A_126 : i32 to index
        %swap3A_391 = arith.constant 16 : index
        %swap3A_392 = tpu.vector_load %arg13[%swap3A_390, %swap3A_391] {strides = array<i32>} : memref<80x128xf32, #tpu.memory_space<vmem>>, vector<1x16xf32>,
        %swap3A_393 = vector.shape_cast %swap3A_392 : vector<1x16xf32> to vector<16xf32>
        %swap3A_394 = vector.shape_cast %mul3A_389 : vector<16xf32> to vector<1x16xf32>
        tpu.vector_store %arg13[%swap3A_390, %swap3A_391], %swap3A_394 {strides = array<i32>} : memref<80x128xf32, #tpu.memory_space<vmem>>, vector<1x16xf32>,
        %get3A_395 = arith.index_cast %scan3A_126 : i32 to index
        %get3A_396 = arith.constant 160 : index
        %get3A_397 = tpu.vector_load %arg11[%get3A_395, %get3A_396] {strides = array<i32>} : memref<80x256xf32, #tpu.memory_space<vmem>>, vector<1x16xf32>,
        %get3A_398 = vector.shape_cast %get3A_397 : vector<1x16xf32> to vector<16xf32>
        %get3A_399 = arith.index_cast %scan3A_126 : i32 to index
        %get3A_400 = arith.constant 32 : index
        %get3A_401 = tpu.vector_load %arg13[%get3A_399, %get3A_400] {strides = array<i32>} : memref<80x128xf32, #tpu.memory_space<vmem>>, vector<1x16xf32>,
        %get3A_402 = vector.shape_cast %get3A_401 : vector<1x16xf32> to vector<16xf32>
        %add3A_403 = arith.addf %get3A_398, %get3A_402 : vector<16xf32>
        %mul3A_404 = arith.mulf %exp3A, %add3A_403 : vector<16xf32>
        %swap3A_405 = arith.index_cast %scan3A_126 : i32 to index
        %swap3A_406 = arith.constant 32 : index
        %swap3A_407 = tpu.vector_load %arg13[%swap3A_405, %swap3A_406] {strides = array<i32>} : memref<80x128xf32, #tpu.memory_space<vmem>>, vector<1x16xf32>,
        %swap3A_408 = vector.shape_cast %swap3A_407 : vector<1x16xf32> to vector<16xf32>
        %swap3A_409 = vector.shape_cast %mul3A_404 : vector<16xf32> to vector<1x16xf32>
        tpu.vector_store %arg13[%swap3A_405, %swap3A_406], %swap3A_409 {strides = array<i32>} : memref<80x128xf32, #tpu.memory_space<vmem>>, vector<1x16xf32>,
        %get3A_410 = arith.index_cast %scan3A_126 : i32 to index
        %get3A_411 = arith.constant 176 : index
        %get3A_412 = tpu.vector_load %arg11[%get3A_410, %get3A_411] {strides = array<i32>} : memref<80x256xf32, #tpu.memory_space<vmem>>, vector<1x16xf32>,
        %get3A_413 = vector.shape_cast %get3A_412 : vector<1x16xf32> to vector<16xf32>
        %get3A_414 = arith.index_cast %scan3A_126 : i32 to index
        %get3A_415 = arith.constant 48 : index
        %get3A_416 = tpu.vector_load %arg13[%get3A_414, %get3A_415] {strides = array<i32>} : memref<80x128xf32, #tpu.memory_space<vmem>>, vector<1x16xf32>,
        %get3A_417 = vector.shape_cast %get3A_416 : vector<1x16xf32> to vector<16xf32>
        %add3A_418 = arith.addf %get3A_413, %get3A_417 : vector<16xf32>
        %mul3A_419 = arith.mulf %exp3A, %add3A_418 : vector<16xf32>
        %swap3A_420 = arith.index_cast %scan3A_126 : i32 to index
        %swap3A_421 = arith.constant 48 : index
        %swap3A_422 = tpu.vector_load %arg13[%swap3A_420, %swap3A_421] {strides = array<i32>} : memref<80x128xf32, #tpu.memory_space<vmem>>, vector<1x16xf32>,
        %swap3A_423 = vector.shape_cast %swap3A_422 : vector<1x16xf32> to vector<16xf32>
        %swap3A_424 = vector.shape_cast %mul3A_419 : vector<16xf32> to vector<1x16xf32>
        tpu.vector_store %arg13[%swap3A_420, %swap3A_421], %swap3A_424 {strides = array<i32>} : memref<80x128xf32, #tpu.memory_space<vmem>>, vector<1x16xf32>,
        %get3A_425 = arith.index_cast %scan3A_126 : i32 to index
        %get3A_426 = arith.constant 192 : index
        %get3A_427 = tpu.vector_load %arg11[%get3A_425, %get3A_426] {strides = array<i32>} : memref<80x256xf32, #tpu.memory_space<vmem>>, vector<1x16xf32>,
        %get3A_428 = vector.shape_cast %get3A_427 : vector<1x16xf32> to vector<16xf32>
        %get3A_429 = arith.index_cast %scan3A_126 : i32 to index
        %get3A_430 = arith.constant 64 : index
        %get3A_431 = tpu.vector_load %arg13[%get3A_429, %get3A_430] {strides = array<i32>} : memref<80x128xf32, #tpu.memory_space<vmem>>, vector<1x16xf32>,
        %get3A_432 = vector.shape_cast %get3A_431 : vector<1x16xf32> to vector<16xf32>
        %add3A_433 = arith.addf %get3A_428, %get3A_432 : vector<16xf32>
        %mul3A_434 = arith.mulf %exp3A_364, %add3A_433 : vector<16xf32>
        %swap3A_435 = arith.index_cast %scan3A_126 : i32 to index
        %swap3A_436 = arith.constant 64 : index
        %swap3A_437 = tpu.vector_load %arg13[%swap3A_435, %swap3A_436] {strides = array<i32>} : memref<80x128xf32, #tpu.memory_space<vmem>>, vector<1x16xf32>,
        %swap3A_438 = vector.shape_cast %swap3A_437 : vector<1x16xf32> to vector<16xf32>
        %swap3A_439 = vector.shape_cast %mul3A_434 : vector<16xf32> to vector<1x16xf32>
        tpu.vector_store %arg13[%swap3A_435, %swap3A_436], %swap3A_439 {strides = array<i32>} : memref<80x128xf32, #tpu.memory_space<vmem>>, vector<1x16xf32>,
        %get3A_440 = arith.index_cast %scan3A_126 : i32 to index
        %get3A_441 = arith.constant 208 : index
        %get3A_442 = tpu.vector_load %arg11[%get3A_440, %get3A_441] {strides = array<i32>} : memref<80x256xf32, #tpu.memory_space<vmem>>, vector<1x16xf32>,
        %get3A_443 = vector.shape_cast %get3A_442 : vector<1x16xf32> to vector<16xf32>
        %get3A_444 = arith.index_cast %scan3A_126 : i32 to index
        %get3A_445 = arith.constant 80 : index
        %get3A_446 = tpu.vector_load %arg13[%get3A_444, %get3A_445] {strides = array<i32>} : memref<80x128xf32, #tpu.memory_space<vmem>>, vector<1x16xf32>,
        %get3A_447 = vector.shape_cast %get3A_446 : vector<1x16xf32> to vector<16xf32>
        %add3A_448 = arith.addf %get3A_443, %get3A_447 : vector<16xf32>
        %mul3A_449 = arith.mulf %exp3A_364, %add3A_448 : vector<16xf32>
        %swap3A_450 = arith.index_cast %scan3A_126 : i32 to index
        %swap3A_451 = arith.constant 80 : index
        %swap3A_452 = tpu.vector_load %arg13[%swap3A_450, %swap3A_451] {strides = array<i32>} : memref<80x128xf32, #tpu.memory_space<vmem>>, vector<1x16xf32>,
        %swap3A_453 = vector.shape_cast %swap3A_452 : vector<1x16xf32> to vector<16xf32>
        %swap3A_454 = vector.shape_cast %mul3A_449 : vector<16xf32> to vector<1x16xf32>
        tpu.vector_store %arg13[%swap3A_450, %swap3A_451], %swap3A_454 {strides = array<i32>} : memref<80x128xf32, #tpu.memory_space<vmem>>, vector<1x16xf32>,
        %get3A_455 = arith.index_cast %scan3A_126 : i32 to index
        %get3A_456 = arith.constant 224 : index
        %get3A_457 = tpu.vector_load %arg11[%get3A_455, %get3A_456] {strides = array<i32>} : memref<80x256xf32, #tpu.memory_space<vmem>>, vector<1x16xf32>,
        %get3A_458 = vector.shape_cast %get3A_457 : vector<1x16xf32> to vector<16xf32>
        %get3A_459 = arith.index_cast %scan3A_126 : i32 to index
        %get3A_460 = arith.constant 96 : index
        %get3A_461 = tpu.vector_load %arg13[%get3A_459, %get3A_460] {strides = array<i32>} : memref<80x128xf32, #tpu.memory_space<vmem>>, vector<1x16xf32>,
        %get3A_462 = vector.shape_cast %get3A_461 : vector<1x16xf32> to vector<16xf32>
        %add3A_463 = arith.addf %get3A_458, %get3A_462 : vector<16xf32>
        %mul3A_464 = arith.mulf %exp3A_364, %add3A_463 : vector<16xf32>
        %swap3A_465 = arith.index_cast %scan3A_126 : i32 to index
        %swap3A_466 = arith.constant 96 : index
        %swap3A_467 = tpu.vector_load %arg13[%swap3A_465, %swap3A_466] {strides = array<i32>} : memref<80x128xf32, #tpu.memory_space<vmem>>, vector<1x16xf32>,
        %swap3A_468 = vector.shape_cast %swap3A_467 : vector<1x16xf32> to vector<16xf32>
        %swap3A_469 = vector.shape_cast %mul3A_464 : vector<16xf32> to vector<1x16xf32>
        tpu.vector_store %arg13[%swap3A_465, %swap3A_466], %swap3A_469 {strides = array<i32>} : memref<80x128xf32, #tpu.memory_space<vmem>>, vector<1x16xf32>,
        %get3A_470 = arith.index_cast %scan3A_126 : i32 to index
        %get3A_471 = arith.constant 240 : index
        %get3A_472 = tpu.vector_load %arg11[%get3A_470, %get3A_471] {strides = array<i32>} : memref<80x256xf32, #tpu.memory_space<vmem>>, vector<1x16xf32>,
        %get3A_473 = vector.shape_cast %get3A_472 : vector<1x16xf32> to vector<16xf32>
        %get3A_474 = arith.index_cast %scan3A_126 : i32 to index
        %get3A_475 = arith.constant 112 : index
        %get3A_476 = tpu.vector_load %arg13[%get3A_474, %get3A_475] {strides = array<i32>} : memref<80x128xf32, #tpu.memory_space<vmem>>, vector<1x16xf32>,
        %get3A_477 = vector.shape_cast %get3A_476 : vector<1x16xf32> to vector<16xf32>
        %add3A_478 = arith.addf %get3A_473, %get3A_477 : vector<16xf32>
        %mul3A_479 = arith.mulf %exp3A_364, %add3A_478 : vector<16xf32>
        %swap3A_480 = arith.index_cast %scan3A_126 : i32 to index
        %swap3A_481 = arith.constant 112 : index
        %swap3A_482 = tpu.vector_load %arg13[%swap3A_480, %swap3A_481] {strides = array<i32>} : memref<80x128xf32, #tpu.memory_space<vmem>>, vector<1x16xf32>,
        %swap3A_483 = vector.shape_cast %swap3A_482 : vector<1x16xf32> to vector<16xf32>
        %swap3A_484 = vector.shape_cast %mul3A_479 : vector<16xf32> to vector<1x16xf32>
        tpu.vector_store %arg13[%swap3A_480, %swap3A_481], %swap3A_484 {strides = array<i32>} : memref<80x128xf32, #tpu.memory_space<vmem>>, vector<1x16xf32>,
        %jit3A = arith.constant 16 : i32
        %div3A = arith.divsi %scan3A_126, %jit3A : i32
        %sign3A = arith.constant 0 : i32
        %sign3A_485 = arith.cmpi sgt, %scan3A_126, %sign3A : i32
        %sign3A_486 = arith.extui %sign3A_485 : i1 to i32
        %sign3A_487 = arith.constant 0 : i32
        %sign3A_488 = arith.cmpi slt, %scan3A_126, %sign3A_487 : i32
        %sign3A_489 = arith.extui %sign3A_488 : i1 to i32
        %sign3A_490 = arith.subi %sign3A_486, %sign3A_489 : i32
        %sign3A_491 = arith.constant 0 : i32
        %sign3A_492 = arith.cmpi sgt, %jit3A, %sign3A_491 : i32
        %sign3A_493 = arith.extui %sign3A_492 : i1 to i32
        %sign3A_494 = arith.constant 0 : i32
        %sign3A_495 = arith.cmpi slt, %jit3A, %sign3A_494 : i32
        %sign3A_496 = arith.extui %sign3A_495 : i1 to i32
        %sign3A_497 = arith.subi %sign3A_493, %sign3A_496 : i32
        %ne3A = arith.cmpi ne, %sign3A_490, %sign3A_497 : i32
        %rem3A = arith.remsi %scan3A_126, %jit3A : i32
        %ne3A_498 = arith.constant 0 : i32
        %ne3A_499 = arith.cmpi ne, %rem3A, %ne3A_498 : i32
        %and3A = arith.andi %ne3A, %ne3A_499 : i1
        %sub3A = arith.constant 1 : i32
        %sub3A_500 = arith.subi %div3A, %sub3A : i32
        %select_n3A_501 = arith.select %and3A, %sub3A_500, %div3A : i32
        %mul3A_502 = arith.constant 16 : i32
        %mul3A_503 = arith.muli %select_n3A_501, %mul3A_502 : i32
        %get3A_504 = arith.index_cast %mul3A_503 : i32 to index
        %get3A_505 = tpu.vector_load %arg10[%get3A_504] {strides = array<i32>} : memref<80xi32, #tpu.memory_space<vmem>>, vector<16xi32>,
        %get3A_506 = vector.shape_cast %get3A_505 : vector<16xi32> to vector<16xi32>
        %jit3A_507 = arith.constant 16 : i32
        %eq3A = arith.constant 0 : i32
        %eq3A_508 = arith.cmpi eq, %jit3A_507, %eq3A : i32
        %jit3A_509 = arith.constant 1 : i32
        %select_n3A_510 = arith.select %eq3A_508, %jit3A_509, %jit3A_507 : i32
        %rem3A_511 = arith.remsi %scan3A_126, %select_n3A_510 : i32
        %ne3A_512 = arith.constant 0 : i32
        %ne3A_513 = arith.cmpi ne, %rem3A_511, %ne3A_512 : i32
        %lt3A_514 = arith.constant 0 : i32
        %lt3A_515 = arith.cmpi slt, %rem3A_511, %lt3A_514 : i32
        %lt3A_516 = arith.constant 0 : i32
        %lt3A_517 = arith.cmpi slt, %select_n3A_510, %lt3A_516 : i32
        %ne3A_518 = arith.xori %lt3A_515, %lt3A_517 : i1
        %and3A_519 = arith.andi %ne3A_518, %ne3A_513 : i1
        %add3A_520 = arith.addi %rem3A_511, %select_n3A_510 : i32
        %select_n3A_521 = arith.select %and3A_519, %add3A_520, %rem3A_511 : i32
        %broadcast_in_dim3A_522 = vector.broadcast %select_n3A_521 : i32 to vector<16xi32>
        %lt3A_523 = arith.constant 0 : i32
        %lt3A_524 = vector.broadcast %lt3A_523 : i32 to vector<16xi32>
        %lt3A_525 = arith.cmpi slt, %broadcast_in_dim3A_522, %lt3A_524 : vector<16xi32>
        %add3A_526 = arith.constant 16 : i32
        %add3A_527 = vector.broadcast %add3A_526 : i32 to vector<16xi32>
        %add3A_528 = arith.addi %broadcast_in_dim3A_522, %add3A_527 : vector<16xi32>
        %select_n3A_529 = arith.select %lt3A_525, %add3A_528, %broadcast_in_dim3A_522 : vector<16xi1>, vector<16xi32>
        %broadcast_in_dim3A_530 = vector.shape_cast %select_n3A_529 : vector<16xi32> to vector<16x1xi32>
        %gather3A_531 = vector.shape_cast %broadcast_in_dim3A_530 : vector<16x1xi32> to vector<16xi32>
        %gather3A_532 = tpu.dynamic_gather %get3A_506[%gather3A_531] in [0] : vector<16xi32>, vector<16xi32> -> vector<16xi32>
        %and3A_533 = arith.constant 63 : i32
        %and3A_534 = vector.broadcast %and3A_533 : i32 to vector<16xi32>
        %and3A_535 = arith.andi %gather3A_532, %and3A_534 : vector<16xi32>
        %mul3A_536 = arith.constant 2 : i32
        %mul3A_537 = vector.broadcast %mul3A_536 : i32 to vector<16xi32>
        %mul3A_538 = arith.muli %mul3A_537, %and3A_535 : vector<16xi32>
        %broadcast_in_dim3A_539 = arith.constant 0.000000e+00 : f32
        %broadcast_in_dim3A_540 = vector.broadcast %broadcast_in_dim3A_539 : f32 to vector<16xf32>
        %add3A_541 = arith.constant 0 : i32
        %add3A_542 = vector.broadcast %add3A_541 : i32 to vector<16xi32>
        %add3A_543 = arith.addi %iota3A, %add3A_542 : vector<16xi32>
        %eq3A_544 = arith.cmpi eq, %add3A_543, %mul3A_538 : vector<16xi32>
        %add3A_545 = arith.constant 1 : i32
        %add3A_546 = vector.broadcast %add3A_545 : i32 to vector<16xi32>
        %add3A_547 = arith.addi %mul3A_538, %add3A_546 : vector<16xi32>
        %eq3A_548 = arith.cmpi eq, %add3A_543, %add3A_547 : vector<16xi32>
        %select_n3A_549 = arith.select %eq3A_548, %exp3A_364, %broadcast_in_dim3A_540 : vector<16xi1>, vector<16xf32>
        %select_n3A_550 = arith.select %eq3A_544, %exp3A, %select_n3A_549 : vector<16xi1>, vector<16xf32>
        %swap3A_551 = arith.index_cast %scan3A_126 : i32 to index
        %swap3A_552 = arith.constant 0 : index
        %swap3A_553 = tpu.vector_load %arg12[%swap3A_551, %swap3A_552] {strides = array<i32>} : memref<80x128xf32, #tpu.memory_space<vmem>>, vector<1x16xf32>,
        %swap3A_554 = vector.shape_cast %swap3A_553 : vector<1x16xf32> to vector<16xf32>
        %swap3A_555 = vector.shape_cast %select_n3A_550 : vector<16xf32> to vector<1x16xf32>
        tpu.vector_store %arg12[%swap3A_551, %swap3A_552], %swap3A_555 {strides = array<i32>} : memref<80x128xf32, #tpu.memory_space<vmem>>, vector<1x16xf32>,
        %add3A_556 = arith.constant 16 : i32
        %add3A_557 = vector.broadcast %add3A_556 : i32 to vector<16xi32>
        %add3A_558 = arith.addi %iota3A, %add3A_557 : vector<16xi32>
        %eq3A_559 = arith.cmpi eq, %add3A_558, %mul3A_538 : vector<16xi32>
        %add3A_560 = arith.constant 1 : i32
        %add3A_561 = vector.broadcast %add3A_560 : i32 to vector<16xi32>
        %add3A_562 = arith.addi %mul3A_538, %add3A_561 : vector<16xi32>
        %eq3A_563 = arith.cmpi eq, %add3A_558, %add3A_562 : vector<16xi32>
        %select_n3A_564 = arith.select %eq3A_563, %exp3A_364, %broadcast_in_dim3A_540 : vector<16xi1>, vector<16xf32>
        %select_n3A_565 = arith.select %eq3A_559, %exp3A, %select_n3A_564 : vector<16xi1>, vector<16xf32>
        %swap3A_566 = arith.index_cast %scan3A_126 : i32 to index
        %swap3A_567 = arith.constant 16 : index
        %swap3A_568 = tpu.vector_load %arg12[%swap3A_566, %swap3A_567] {strides = array<i32>} : memref<80x128xf32, #tpu.memory_space<vmem>>, vector<1x16xf32>,
        %swap3A_569 = vector.shape_cast %swap3A_568 : vector<1x16xf32> to vector<16xf32>
        %swap3A_570 = vector.shape_cast %select_n3A_565 : vector<16xf32> to vector<1x16xf32>
        tpu.vector_store %arg12[%swap3A_566, %swap3A_567], %swap3A_570 {strides = array<i32>} : memref<80x128xf32, #tpu.memory_space<vmem>>, vector<1x16xf32>,
        %add3A_571 = arith.constant 32 : i32
        %add3A_572 = vector.broadcast %add3A_571 : i32 to vector<16xi32>
        %add3A_573 = arith.addi %iota3A, %add3A_572 : vector<16xi32>
        %eq3A_574 = arith.cmpi eq, %add3A_573, %mul3A_538 : vector<16xi32>
        %add3A_575 = arith.constant 1 : i32
        %add3A_576 = vector.broadcast %add3A_575 : i32 to vector<16xi32>
        %add3A_577 = arith.addi %mul3A_538, %add3A_576 : vector<16xi32>
        %eq3A_578 = arith.cmpi eq, %add3A_573, %add3A_577 : vector<16xi32>
        %select_n3A_579 = arith.select %eq3A_578, %exp3A_364, %broadcast_in_dim3A_540 : vector<16xi1>, vector<16xf32>
        %select_n3A_580 = arith.select %eq3A_574, %exp3A, %select_n3A_579 : vector<16xi1>, vector<16xf32>
        %swap3A_581 = arith.index_cast %scan3A_126 : i32 to index
        %swap3A_582 = arith.constant 32 : index
        %swap3A_583 = tpu.vector_load %arg12[%swap3A_581, %swap3A_582] {strides = array<i32>} : memref<80x128xf32, #tpu.memory_space<vmem>>, vector<1x16xf32>,
        %swap3A_584 = vector.shape_cast %swap3A_583 : vector<1x16xf32> to vector<16xf32>
        %swap3A_585 = vector.shape_cast %select_n3A_580 : vector<16xf32> to vector<1x16xf32>
        tpu.vector_store %arg12[%swap3A_581, %swap3A_582], %swap3A_585 {strides = array<i32>} : memref<80x128xf32, #tpu.memory_space<vmem>>, vector<1x16xf32>,
        %add3A_586 = arith.constant 48 : i32
        %add3A_587 = vector.broadcast %add3A_586 : i32 to vector<16xi32>
        %add3A_588 = arith.addi %iota3A, %add3A_587 : vector<16xi32>
        %eq3A_589 = arith.cmpi eq, %add3A_588, %mul3A_538 : vector<16xi32>
        %add3A_590 = arith.constant 1 : i32
        %add3A_591 = vector.broadcast %add3A_590 : i32 to vector<16xi32>
        %add3A_592 = arith.addi %mul3A_538, %add3A_591 : vector<16xi32>
        %eq3A_593 = arith.cmpi eq, %add3A_588, %add3A_592 : vector<16xi32>
        %select_n3A_594 = arith.select %eq3A_593, %exp3A_364, %broadcast_in_dim3A_540 : vector<16xi1>, vector<16xf32>
        %select_n3A_595 = arith.select %eq3A_589, %exp3A, %select_n3A_594 : vector<16xi1>, vector<16xf32>
        %swap3A_596 = arith.index_cast %scan3A_126 : i32 to index
        %swap3A_597 = arith.constant 48 : index
        %swap3A_598 = tpu.vector_load %arg12[%swap3A_596, %swap3A_597] {strides = array<i32>} : memref<80x128xf32, #tpu.memory_space<vmem>>, vector<1x16xf32>,
        %swap3A_599 = vector.shape_cast %swap3A_598 : vector<1x16xf32> to vector<16xf32>
        %swap3A_600 = vector.shape_cast %select_n3A_595 : vector<16xf32> to vector<1x16xf32>
        tpu.vector_store %arg12[%swap3A_596, %swap3A_597], %swap3A_600 {strides = array<i32>} : memref<80x128xf32, #tpu.memory_space<vmem>>, vector<1x16xf32>,
        %add3A_601 = arith.constant 64 : i32
        %add3A_602 = vector.broadcast %add3A_601 : i32 to vector<16xi32>
        %add3A_603 = arith.addi %iota3A, %add3A_602 : vector<16xi32>
        %eq3A_604 = arith.cmpi eq, %add3A_603, %mul3A_538 : vector<16xi32>
        %add3A_605 = arith.constant 1 : i32
        %add3A_606 = vector.broadcast %add3A_605 : i32 to vector<16xi32>
        %add3A_607 = arith.addi %mul3A_538, %add3A_606 : vector<16xi32>
        %eq3A_608 = arith.cmpi eq, %add3A_603, %add3A_607 : vector<16xi32>
        %select_n3A_609 = arith.select %eq3A_608, %exp3A_364, %broadcast_in_dim3A_540 : vector<16xi1>, vector<16xf32>
        %select_n3A_610 = arith.select %eq3A_604, %exp3A, %select_n3A_609 : vector<16xi1>, vector<16xf32>
        %swap3A_611 = arith.index_cast %scan3A_126 : i32 to index
        %swap3A_612 = arith.constant 64 : index
        %swap3A_613 = tpu.vector_load %arg12[%swap3A_611, %swap3A_612] {strides = array<i32>} : memref<80x128xf32, #tpu.memory_space<vmem>>, vector<1x16xf32>,
        %swap3A_614 = vector.shape_cast %swap3A_613 : vector<1x16xf32> to vector<16xf32>
        %swap3A_615 = vector.shape_cast %select_n3A_610 : vector<16xf32> to vector<1x16xf32>
        tpu.vector_store %arg12[%swap3A_611, %swap3A_612], %swap3A_615 {strides = array<i32>} : memref<80x128xf32, #tpu.memory_space<vmem>>, vector<1x16xf32>,
        %add3A_616 = arith.constant 80 : i32
        %add3A_617 = vector.broadcast %add3A_616 : i32 to vector<16xi32>
        %add3A_618 = arith.addi %iota3A, %add3A_617 : vector<16xi32>
        %eq3A_619 = arith.cmpi eq, %add3A_618, %mul3A_538 : vector<16xi32>
        %add3A_620 = arith.constant 1 : i32
        %add3A_621 = vector.broadcast %add3A_620 : i32 to vector<16xi32>
        %add3A_622 = arith.addi %mul3A_538, %add3A_621 : vector<16xi32>
        %eq3A_623 = arith.cmpi eq, %add3A_618, %add3A_622 : vector<16xi32>
        %select_n3A_624 = arith.select %eq3A_623, %exp3A_364, %broadcast_in_dim3A_540 : vector<16xi1>, vector<16xf32>
        %select_n3A_625 = arith.select %eq3A_619, %exp3A, %select_n3A_624 : vector<16xi1>, vector<16xf32>
        %swap3A_626 = arith.index_cast %scan3A_126 : i32 to index
        %swap3A_627 = arith.constant 80 : index
        %swap3A_628 = tpu.vector_load %arg12[%swap3A_626, %swap3A_627] {strides = array<i32>} : memref<80x128xf32, #tpu.memory_space<vmem>>, vector<1x16xf32>,
        %swap3A_629 = vector.shape_cast %swap3A_628 : vector<1x16xf32> to vector<16xf32>
        %swap3A_630 = vector.shape_cast %select_n3A_625 : vector<16xf32> to vector<1x16xf32>
        tpu.vector_store %arg12[%swap3A_626, %swap3A_627], %swap3A_630 {strides = array<i32>} : memref<80x128xf32, #tpu.memory_space<vmem>>, vector<1x16xf32>,
        %add3A_631 = arith.constant 96 : i32
        %add3A_632 = vector.broadcast %add3A_631 : i32 to vector<16xi32>
        %add3A_633 = arith.addi %iota3A, %add3A_632 : vector<16xi32>
        %eq3A_634 = arith.cmpi eq, %add3A_633, %mul3A_538 : vector<16xi32>
        %add3A_635 = arith.constant 1 : i32
        %add3A_636 = vector.broadcast %add3A_635 : i32 to vector<16xi32>
        %add3A_637 = arith.addi %mul3A_538, %add3A_636 : vector<16xi32>
        %eq3A_638 = arith.cmpi eq, %add3A_633, %add3A_637 : vector<16xi32>
        %select_n3A_639 = arith.select %eq3A_638, %exp3A_364, %broadcast_in_dim3A_540 : vector<16xi1>, vector<16xf32>
        %select_n3A_640 = arith.select %eq3A_634, %exp3A, %select_n3A_639 : vector<16xi1>, vector<16xf32>
        %swap3A_641 = arith.index_cast %scan3A_126 : i32 to index
        %swap3A_642 = arith.constant 96 : index
        %swap3A_643 = tpu.vector_load %arg12[%swap3A_641, %swap3A_642] {strides = array<i32>} : memref<80x128xf32, #tpu.memory_space<vmem>>, vector<1x16xf32>,
        %swap3A_644 = vector.shape_cast %swap3A_643 : vector<1x16xf32> to vector<16xf32>
        %swap3A_645 = vector.shape_cast %select_n3A_640 : vector<16xf32> to vector<1x16xf32>
        tpu.vector_store %arg12[%swap3A_641, %swap3A_642], %swap3A_645 {strides = array<i32>} : memref<80x128xf32, #tpu.memory_space<vmem>>, vector<1x16xf32>,
        %add3A_646 = arith.constant 112 : i32
        %add3A_647 = vector.broadcast %add3A_646 : i32 to vector<16xi32>
        %add3A_648 = arith.addi %iota3A, %add3A_647 : vector<16xi32>
        %eq3A_649 = arith.cmpi eq, %add3A_648, %mul3A_538 : vector<16xi32>
        %add3A_650 = arith.constant 1 : i32
        %add3A_651 = vector.broadcast %add3A_650 : i32 to vector<16xi32>
        %add3A_652 = arith.addi %mul3A_538, %add3A_651 : vector<16xi32>
        %eq3A_653 = arith.cmpi eq, %add3A_648, %add3A_652 : vector<16xi32>
        %select_n3A_654 = arith.select %eq3A_653, %exp3A_364, %broadcast_in_dim3A_540 : vector<16xi1>, vector<16xf32>
        %select_n3A_655 = arith.select %eq3A_649, %exp3A, %select_n3A_654 : vector<16xi1>, vector<16xf32>
        %swap3A_656 = arith.index_cast %scan3A_126 : i32 to index
        %swap3A_657 = arith.constant 112 : index
        %swap3A_658 = tpu.vector_load %arg12[%swap3A_656, %swap3A_657] {strides = array<i32>} : memref<80x128xf32, #tpu.memory_space<vmem>>, vector<1x16xf32>,
        %swap3A_659 = vector.shape_cast %swap3A_658 : vector<1x16xf32> to vector<16xf32>
        %swap3A_660 = vector.shape_cast %select_n3A_655 : vector<16xf32> to vector<1x16xf32>
        tpu.vector_store %arg12[%swap3A_656, %swap3A_657], %swap3A_660 {strides = array<i32>} : memref<80x128xf32, #tpu.memory_space<vmem>>, vector<1x16xf32>,
      }
      %scan3A_113 = arith.constant 80 : i32
      %dma_start3A_114 = arith.constant 0 : i32
      %dma_start3A_115 = arith.constant 0 : i32
      %dma_start3A_116 = tpu.memref_slice %arg16[%dma_start3A_114, %dma_start3A_115] : memref<10240x128xf32, #tpu.memory_space<vmem_shared>> -> memref<10240x128xf32, #tpu.memory_space<vmem_shared>>
      tpu.enqueue_indirect_dma source(%arg13 : memref<80x128xf32, #tpu.memory_space<vmem>>) target(%dma_start3A_116 : memref<10240x128xf32, #tpu.memory_space<vmem_shared>>) offsets(%arg10 : memref<80xi32, #tpu.memory_space<vmem>>) semaphore(%arg23 : memref<!tpu.dma_semaphore, #tpu.memory_space<semaphore_mem>>) {add = true}
      %dma_start3A_117 = arith.constant 0 : i32
      %dma_start3A_118 = arith.constant 0 : i32
      %dma_start3A_119 = tpu.memref_slice %arg17[%dma_start3A_117, %dma_start3A_118] : memref<256x128xf32, #tpu.memory_space<vmem_shared>> -> memref<256x128xf32, #tpu.memory_space<vmem_shared>>
      tpu.enqueue_indirect_dma source(%arg12 : memref<80x128xf32, #tpu.memory_space<vmem>>) target(%dma_start3A_119 : memref<256x128xf32, #tpu.memory_space<vmem_shared>>) offsets(%arg14 : memref<80xi32, #tpu.memory_space<vmem>>) semaphore(%arg24 : memref<!tpu.dma_semaphore, #tpu.memory_space<semaphore_mem>>) {add = true}
      %dma_wait3A_120 = arith.constant 0 : i32
      %dma_wait3A_121 = arith.constant 0 : i32
      %dma_wait3A_122 = tpu.memref_slice %arg16[%dma_wait3A_120, %dma_wait3A_121] : memref<10240x128xf32, #tpu.memory_space<vmem_shared>> -> memref<10240x128xf32, #tpu.memory_space<vmem_shared>>
      tpu.wait_indirect_dma semaphore(%arg23 : memref<!tpu.dma_semaphore, #tpu.memory_space<semaphore_mem>>) src(%arg13 : memref<80x128xf32, #tpu.memory_space<vmem>>) dst(%dma_wait3A_122 : memref<10240x128xf32, #tpu.memory_space<vmem_shared>>)
      %dma_wait3A_123 = arith.constant 0 : i32
      %dma_wait3A_124 = arith.constant 0 : i32
      %dma_wait3A_125 = tpu.memref_slice %arg17[%dma_wait3A_123, %dma_wait3A_124] : memref<256x128xf32, #tpu.memory_space<vmem_shared>> -> memref<256x128xf32, #tpu.memory_space<vmem_shared>>
      tpu.wait_indirect_dma semaphore(%arg24 : memref<!tpu.dma_semaphore, #tpu.memory_space<semaphore_mem>>) src(%arg12 : memref<80x128xf32, #tpu.memory_space<vmem>>) dst(%dma_wait3A_125 : memref<256x128xf32, #tpu.memory_space<vmem_shared>>)
    }
    %scan3A_19 = arith.constant 125 : i32
    %barrier3A_20 = arith.constant 0 : index
    tpu.barrier barrier_id(%barrier3A_20)
    %mul3A_21 = arith.constant 640 : i32
    %mul3A_22 = arith.muli %arg1, %mul3A_21 : i32
    %mul3A_23 = arith.constant 640 : i32
    %mul3A_24 = arith.muli %arg1, %mul3A_23 : i32
    "tpu.region"() ({
      %run_scoped3A = tpu.sem_alloc : memref<!tpu.dma_semaphore, #tpu.memory_space<semaphore_mem>>
      %dma_start3A = arith.constant 0 : i32
      %dma_start3A_29 = tpu.memref_slice %arg7[%arg0, %mul3A_24, %dma_start3A] : memref<2x10240x128xf32, #tpu.memory_space<hbm>> -> memref<1x640x128xf32, #tpu.memory_space<hbm>>
      %dma_start3A_30 = tpu.memref_squeeze %dma_start3A_29 : memref<1x640x128xf32, #tpu.memory_space<hbm>> -> memref<640x128xf32, #tpu.memory_space<hbm>>
      %dma_start3A_31 = arith.constant 0 : i32
      %dma_start3A_32 = tpu.memref_slice %arg16[%mul3A_22, %dma_start3A_31] : memref<10240x128xf32, #tpu.memory_space<vmem_shared>> -> memref<640x128xf32, #tpu.memory_space<vmem_shared>>
      tpu.enqueue_dma source(%dma_start3A_32 : memref<640x128xf32, #tpu.memory_space<vmem_shared>>) target(%dma_start3A_30 : memref<640x128xf32, #tpu.memory_space<hbm>>) target_semaphore(%run_scoped3A : memref<!tpu.dma_semaphore, #tpu.memory_space<semaphore_mem>>)
      %dma_wait3A = arith.constant 0 : i32
      %dma_wait3A_33 = tpu.memref_slice %arg7[%arg0, %mul3A_24, %dma_wait3A] : memref<2x10240x128xf32, #tpu.memory_space<hbm>> -> memref<1x640x128xf32, #tpu.memory_space<hbm>>
      %dma_wait3A_34 = tpu.memref_squeeze %dma_wait3A_33 : memref<1x640x128xf32, #tpu.memory_space<hbm>> -> memref<640x128xf32, #tpu.memory_space<hbm>>
      %dma_wait3A_35 = arith.constant 0 : i32
      %dma_wait3A_36 = tpu.memref_slice %arg16[%mul3A_22, %dma_wait3A_35] : memref<10240x128xf32, #tpu.memory_space<vmem_shared>> -> memref<640x128xf32, #tpu.memory_space<vmem_shared>>
      tpu.wait_dma2 semaphore(%run_scoped3A : memref<!tpu.dma_semaphore, #tpu.memory_space<semaphore_mem>>) src(%dma_wait3A_36 : memref<640x128xf32, #tpu.memory_space<vmem_shared>>) dst(%dma_wait3A_34 : memref<640x128xf32, #tpu.memory_space<hbm>>)
      tpu.yield
    }) : () -> ()
    %mul3A_25 = arith.constant 16 : i32
    %mul3A_26 = arith.muli %arg1, %mul3A_25 : i32
    %mul3A_27 = arith.constant 16 : i32
    %mul3A_28 = arith.muli %arg1, %mul3A_27 : i32
    "tpu.region"() ({
      %run_scoped3A = tpu.sem_alloc : memref<!tpu.dma_semaphore, #tpu.memory_space<semaphore_mem>>
      %dma_start3A = arith.constant 0 : i32
      %dma_start3A_29 = tpu.memref_slice %arg8[%arg0, %mul3A_28, %dma_start3A] : memref<2x256x128xf32, #tpu.memory_space<hbm>> -> memref<1x16x128xf32, #tpu.memory_space<hbm>>
      %dma_start3A_30 = tpu.memref_squeeze %dma_start3A_29 : memref<1x16x128xf32, #tpu.memory_space<hbm>> -> memref<16x128xf32, #tpu.memory_space<hbm>>
      %dma_start3A_31 = arith.constant 0 : i32
      %dma_start3A_32 = tpu.memref_slice %arg17[%mul3A_26, %dma_start3A_31] : memref<256x128xf32, #tpu.memory_space<vmem_shared>> -> memref<16x128xf32, #tpu.memory_space<vmem_shared>>
      tpu.enqueue_dma source(%dma_start3A_32 : memref<16x128xf32, #tpu.memory_space<vmem_shared>>) target(%dma_start3A_30 : memref<16x128xf32, #tpu.memory_space<hbm>>) target_semaphore(%run_scoped3A : memref<!tpu.dma_semaphore, #tpu.memory_space<semaphore_mem>>)
      %dma_wait3A = arith.constant 0 : i32
      %dma_wait3A_33 = tpu.memref_slice %arg8[%arg0, %mul3A_28, %dma_wait3A] : memref<2x256x128xf32, #tpu.memory_space<hbm>> -> memref<1x16x128xf32, #tpu.memory_space<hbm>>
      %dma_wait3A_34 = tpu.memref_squeeze %dma_wait3A_33 : memref<1x16x128xf32, #tpu.memory_space<hbm>> -> memref<16x128xf32, #tpu.memory_space<hbm>>
      %dma_wait3A_35 = arith.constant 0 : i32
      %dma_wait3A_36 = tpu.memref_slice %arg17[%mul3A_26, %dma_wait3A_35] : memref<256x128xf32, #tpu.memory_space<vmem_shared>> -> memref<16x128xf32, #tpu.memory_space<vmem_shared>>
      tpu.wait_dma2 semaphore(%run_scoped3A : memref<!tpu.dma_semaphore, #tpu.memory_space<semaphore_mem>>) src(%dma_wait3A_36 : memref<16x128xf32, #tpu.memory_space<vmem_shared>>) dst(%dma_wait3A_34 : memref<16x128xf32, #tpu.memory_space<hbm>>)
      tpu.yield
    }) : () -> ()
    return
  }
}

#map = affine_map<(d0, d1) -> (0)>
#map1 = affine_map<(d0, d1) -> (0, 0, 0)>
module attributes {stable_mosaic.version = 14 : i64} {
  func.func @_sc0_body(%arg0: i32, %arg1: i32, %arg2: memref<10000xf32, #tpu.memory_space<hbm>>, %arg3: memref<32x125x80xi32, #tpu.memory_space<hbm>>, %arg4: memref<32x125x80xf32, #tpu.memory_space<hbm>>, %arg5: memref<125x80xi32, #tpu.memory_space<vmem>>, %arg6: memref<125x80xf32, #tpu.memory_space<vmem>>, %arg7: memref<!tpu.dma_semaphore, #tpu.memory_space<semaphore_mem>>) attributes {dimension_semantics = [#tpu.dimension_semantics<core_parallel>, #tpu.dimension_semantics<subcore_parallel>], iteration_bounds = array<i64: 2, 16>, scalar_prefetch = 0 : i64, scratch_operands = 3 : i64, tpu.core_type = #tpu.core_type<sc_vector_subcore>, window_params = [{transform_indices = #map}, {transform_indices = #map1}, {transform_indices = #map1}]} {
    %mul3A = arith.constant 16 : i32
    %mul3A_0 = arith.muli %arg0, %mul3A : i32
    %add3A = arith.addi %mul3A_0, %arg1 : i32
    "tpu.region"() ({
      %run_scoped3A = tpu.sem_alloc : memref<!tpu.dma_semaphore, #tpu.memory_space<semaphore_mem>>
      %dma_start3A = arith.constant 0 : i32
      %dma_start3A_6 = arith.constant 0 : i32
      %dma_start3A_7 = tpu.memref_slice %arg3[%add3A, %dma_start3A, %dma_start3A_6] : memref<32x125x80xi32, #tpu.memory_space<hbm>> -> memref<1x125x80xi32, #tpu.memory_space<hbm>>
      %dma_start3A_8 = tpu.memref_squeeze %dma_start3A_7 : memref<1x125x80xi32, #tpu.memory_space<hbm>> -> memref<125x80xi32, #tpu.memory_space<hbm>>
      %dma_start3A_9 = arith.constant 0 : i32
      %dma_start3A_10 = arith.constant 0 : i32
      %dma_start3A_11 = tpu.memref_slice %arg3[%add3A, %dma_start3A_9, %dma_start3A_10] : memref<32x125x80xi32, #tpu.memory_space<hbm>> -> memref<1x125x80xi32, #tpu.memory_space<hbm>>
      %dma_start3A_12 = tpu.memref_squeeze %dma_start3A_11 : memref<1x125x80xi32, #tpu.memory_space<hbm>> -> memref<125x80xi32, #tpu.memory_space<hbm>>
      tpu.enqueue_dma source(%dma_start3A_12 : memref<125x80xi32, #tpu.memory_space<hbm>>) target(%arg5 : memref<125x80xi32, #tpu.memory_space<vmem>>) target_semaphore(%run_scoped3A : memref<!tpu.dma_semaphore, #tpu.memory_space<semaphore_mem>>)
      %dma_wait3A = arith.constant 0 : i32
      %dma_wait3A_13 = arith.constant 0 : i32
      %dma_wait3A_14 = tpu.memref_slice %arg3[%add3A, %dma_wait3A, %dma_wait3A_13] : memref<32x125x80xi32, #tpu.memory_space<hbm>> -> memref<1x125x80xi32, #tpu.memory_space<hbm>>
      %dma_wait3A_15 = tpu.memref_squeeze %dma_wait3A_14 : memref<1x125x80xi32, #tpu.memory_space<hbm>> -> memref<125x80xi32, #tpu.memory_space<hbm>>
      %dma_wait3A_16 = arith.constant 0 : i32
      %dma_wait3A_17 = arith.constant 0 : i32
      %dma_wait3A_18 = tpu.memref_slice %arg3[%add3A, %dma_wait3A_16, %dma_wait3A_17] : memref<32x125x80xi32, #tpu.memory_space<hbm>> -> memref<1x125x80xi32, #tpu.memory_space<hbm>>
      %dma_wait3A_19 = tpu.memref_squeeze %dma_wait3A_18 : memref<1x125x80xi32, #tpu.memory_space<hbm>> -> memref<125x80xi32, #tpu.memory_space<hbm>>
      tpu.wait_dma2 semaphore(%run_scoped3A : memref<!tpu.dma_semaphore, #tpu.memory_space<semaphore_mem>>) src(%dma_wait3A_19 : memref<125x80xi32, #tpu.memory_space<hbm>>) dst(%arg5 : memref<125x80xi32, #tpu.memory_space<vmem>>)
      tpu.yield
    }) : () -> ()
    %scan3A = arith.constant 0 : i32
    %scan3A_1 = arith.constant 0 : i32
    %scan3A_2 = arith.constant 25 : i32
    %scan3A_3 = arith.addi %scan3A_1, %scan3A_2 : i32
    %scan3A_4 = arith.constant 1 : i32
    scf.for %scan3A_6 = %scan3A_1 to %scan3A_3 step %scan3A_4  : i32 {
      %mul3A_7 = arith.constant 5 : i32
      %mul3A_8 = arith.muli %mul3A_7, %scan3A_6 : i32
      %add3A_9 = arith.constant 0 : i32
      %add3A_10 = arith.addi %mul3A_8, %add3A_9 : i32
      %mul3A_11 = arith.constant 5 : i32
      %mul3A_12 = arith.muli %mul3A_11, %scan3A_6 : i32
      %add3A_13 = arith.constant 0 : i32
      %add3A_14 = arith.addi %mul3A_12, %add3A_13 : i32
      %dma_start3A = arith.constant 0 : i32
      %dma_start3A_15 = tpu.memref_slice %arg6[%add3A_14, %dma_start3A] : memref<125x80xf32, #tpu.memory_space<vmem>> -> memref<1x80xf32, #tpu.memory_space<vmem>>
      %dma_start3A_16 = tpu.memref_squeeze %dma_start3A_15 : memref<1x80xf32, #tpu.memory_space<vmem>> -> memref<80xf32, #tpu.memory_space<vmem>>
      %dma_start3A_17 = arith.constant 0 : i32
      %dma_start3A_18 = tpu.memref_slice %arg5[%add3A_10, %dma_start3A_17] : memref<125x80xi32, #tpu.memory_space<vmem>> -> memref<1x80xi32, #tpu.memory_space<vmem>>
      %dma_start3A_19 = tpu.memref_squeeze %dma_start3A_18 : memref<1x80xi32, #tpu.memory_space<vmem>> -> memref<80xi32, #tpu.memory_space<vmem>>
      %dma_start3A_20 = arith.constant 0 : i32
      %dma_start3A_21 = tpu.memref_slice %arg2[%dma_start3A_20] : memref<10000xf32, #tpu.memory_space<hbm>> -> memref<10000xf32, #tpu.memory_space<hbm>>
      tpu.enqueue_indirect_dma source(%dma_start3A_21 : memref<10000xf32, #tpu.memory_space<hbm>>) target(%dma_start3A_16 : memref<80xf32, #tpu.memory_space<vmem>>) offsets(%dma_start3A_19 : memref<80xi32, #tpu.memory_space<vmem>>) semaphore(%arg7 : memref<!tpu.dma_semaphore, #tpu.memory_space<semaphore_mem>>)
      %mul3A_22 = arith.constant 5 : i32
      %mul3A_23 = arith.muli %mul3A_22, %scan3A_6 : i32
      %add3A_24 = arith.constant 1 : i32
      %add3A_25 = arith.addi %mul3A_23, %add3A_24 : i32
      %mul3A_26 = arith.constant 5 : i32
      %mul3A_27 = arith.muli %mul3A_26, %scan3A_6 : i32
      %add3A_28 = arith.constant 1 : i32
      %add3A_29 = arith.addi %mul3A_27, %add3A_28 : i32
      %dma_start3A_30 = arith.constant 0 : i32
      %dma_start3A_31 = tpu.memref_slice %arg6[%add3A_29, %dma_start3A_30] : memref<125x80xf32, #tpu.memory_space<vmem>> -> memref<1x80xf32, #tpu.memory_space<vmem>>
      %dma_start3A_32 = tpu.memref_squeeze %dma_start3A_31 : memref<1x80xf32, #tpu.memory_space<vmem>> -> memref<80xf32, #tpu.memory_space<vmem>>
      %dma_start3A_33 = arith.constant 0 : i32
      %dma_start3A_34 = tpu.memref_slice %arg5[%add3A_25, %dma_start3A_33] : memref<125x80xi32, #tpu.memory_space<vmem>> -> memref<1x80xi32, #tpu.memory_space<vmem>>
      %dma_start3A_35 = tpu.memref_squeeze %dma_start3A_34 : memref<1x80xi32, #tpu.memory_space<vmem>> -> memref<80xi32, #tpu.memory_space<vmem>>
      %dma_start3A_36 = arith.constant 0 : i32
      %dma_start3A_37 = tpu.memref_slice %arg2[%dma_start3A_36] : memref<10000xf32, #tpu.memory_space<hbm>> -> memref<10000xf32, #tpu.memory_space<hbm>>
      tpu.enqueue_indirect_dma source(%dma_start3A_37 : memref<10000xf32, #tpu.memory_space<hbm>>) target(%dma_start3A_32 : memref<80xf32, #tpu.memory_space<vmem>>) offsets(%dma_start3A_35 : memref<80xi32, #tpu.memory_space<vmem>>) semaphore(%arg7 : memref<!tpu.dma_semaphore, #tpu.memory_space<semaphore_mem>>)
      %mul3A_38 = arith.constant 5 : i32
      %mul3A_39 = arith.muli %mul3A_38, %scan3A_6 : i32
      %add3A_40 = arith.constant 2 : i32
      %add3A_41 = arith.addi %mul3A_39, %add3A_40 : i32
      %mul3A_42 = arith.constant 5 : i32
      %mul3A_43 = arith.muli %mul3A_42, %scan3A_6 : i32
      %add3A_44 = arith.constant 2 : i32
      %add3A_45 = arith.addi %mul3A_43, %add3A_44 : i32
      %dma_start3A_46 = arith.constant 0 : i32
      %dma_start3A_47 = tpu.memref_slice %arg6[%add3A_45, %dma_start3A_46] : memref<125x80xf32, #tpu.memory_space<vmem>> -> memref<1x80xf32, #tpu.memory_space<vmem>>
      %dma_start3A_48 = tpu.memref_squeeze %dma_start3A_47 : memref<1x80xf32, #tpu.memory_space<vmem>> -> memref<80xf32, #tpu.memory_space<vmem>>
      %dma_start3A_49 = arith.constant 0 : i32
      %dma_start3A_50 = tpu.memref_slice %arg5[%add3A_41, %dma_start3A_49] : memref<125x80xi32, #tpu.memory_space<vmem>> -> memref<1x80xi32, #tpu.memory_space<vmem>>
      %dma_start3A_51 = tpu.memref_squeeze %dma_start3A_50 : memref<1x80xi32, #tpu.memory_space<vmem>> -> memref<80xi32, #tpu.memory_space<vmem>>
      %dma_start3A_52 = arith.constant 0 : i32
      %dma_start3A_53 = tpu.memref_slice %arg2[%dma_start3A_52] : memref<10000xf32, #tpu.memory_space<hbm>> -> memref<10000xf32, #tpu.memory_space<hbm>>
      tpu.enqueue_indirect_dma source(%dma_start3A_53 : memref<10000xf32, #tpu.memory_space<hbm>>) target(%dma_start3A_48 : memref<80xf32, #tpu.memory_space<vmem>>) offsets(%dma_start3A_51 : memref<80xi32, #tpu.memory_space<vmem>>) semaphore(%arg7 : memref<!tpu.dma_semaphore, #tpu.memory_space<semaphore_mem>>)
      %mul3A_54 = arith.constant 5 : i32
      %mul3A_55 = arith.muli %mul3A_54, %scan3A_6 : i32
      %add3A_56 = arith.constant 3 : i32
      %add3A_57 = arith.addi %mul3A_55, %add3A_56 : i32
      %mul3A_58 = arith.constant 5 : i32
      %mul3A_59 = arith.muli %mul3A_58, %scan3A_6 : i32
      %add3A_60 = arith.constant 3 : i32
      %add3A_61 = arith.addi %mul3A_59, %add3A_60 : i32
      %dma_start3A_62 = arith.constant 0 : i32
      %dma_start3A_63 = tpu.memref_slice %arg6[%add3A_61, %dma_start3A_62] : memref<125x80xf32, #tpu.memory_space<vmem>> -> memref<1x80xf32, #tpu.memory_space<vmem>>
      %dma_start3A_64 = tpu.memref_squeeze %dma_start3A_63 : memref<1x80xf32, #tpu.memory_space<vmem>> -> memref<80xf32, #tpu.memory_space<vmem>>
      %dma_start3A_65 = arith.constant 0 : i32
      %dma_start3A_66 = tpu.memref_slice %arg5[%add3A_57, %dma_start3A_65] : memref<125x80xi32, #tpu.memory_space<vmem>> -> memref<1x80xi32, #tpu.memory_space<vmem>>
      %dma_start3A_67 = tpu.memref_squeeze %dma_start3A_66 : memref<1x80xi32, #tpu.memory_space<vmem>> -> memref<80xi32, #tpu.memory_space<vmem>>
      %dma_start3A_68 = arith.constant 0 : i32
      %dma_start3A_69 = tpu.memref_slice %arg2[%dma_start3A_68] : memref<10000xf32, #tpu.memory_space<hbm>> -> memref<10000xf32, #tpu.memory_space<hbm>>
      tpu.enqueue_indirect_dma source(%dma_start3A_69 : memref<10000xf32, #tpu.memory_space<hbm>>) target(%dma_start3A_64 : memref<80xf32, #tpu.memory_space<vmem>>) offsets(%dma_start3A_67 : memref<80xi32, #tpu.memory_space<vmem>>) semaphore(%arg7 : memref<!tpu.dma_semaphore, #tpu.memory_space<semaphore_mem>>)
      %mul3A_70 = arith.constant 5 : i32
      %mul3A_71 = arith.muli %mul3A_70, %scan3A_6 : i32
      %add3A_72 = arith.constant 4 : i32
      %add3A_73 = arith.addi %mul3A_71, %add3A_72 : i32
      %mul3A_74 = arith.constant 5 : i32
      %mul3A_75 = arith.muli %mul3A_74, %scan3A_6 : i32
      %add3A_76 = arith.constant 4 : i32
      %add3A_77 = arith.addi %mul3A_75, %add3A_76 : i32
      %dma_start3A_78 = arith.constant 0 : i32
      %dma_start3A_79 = tpu.memref_slice %arg6[%add3A_77, %dma_start3A_78] : memref<125x80xf32, #tpu.memory_space<vmem>> -> memref<1x80xf32, #tpu.memory_space<vmem>>
      %dma_start3A_80 = tpu.memref_squeeze %dma_start3A_79 : memref<1x80xf32, #tpu.memory_space<vmem>> -> memref<80xf32, #tpu.memory_space<vmem>>
      %dma_start3A_81 = arith.constant 0 : i32
      %dma_start3A_82 = tpu.memref_slice %arg5[%add3A_73, %dma_start3A_81] : memref<125x80xi32, #tpu.memory_space<vmem>> -> memref<1x80xi32, #tpu.memory_space<vmem>>
      %dma_start3A_83 = tpu.memref_squeeze %dma_start3A_82 : memref<1x80xi32, #tpu.memory_space<vmem>> -> memref<80xi32, #tpu.memory_space<vmem>>
      %dma_start3A_84 = arith.constant 0 : i32
      %dma_start3A_85 = tpu.memref_slice %arg2[%dma_start3A_84] : memref<10000xf32, #tpu.memory_space<hbm>> -> memref<10000xf32, #tpu.memory_space<hbm>>
      tpu.enqueue_indirect_dma source(%dma_start3A_85 : memref<10000xf32, #tpu.memory_space<hbm>>) target(%dma_start3A_80 : memref<80xf32, #tpu.memory_space<vmem>>) offsets(%dma_start3A_83 : memref<80xi32, #tpu.memory_space<vmem>>) semaphore(%arg7 : memref<!tpu.dma_semaphore, #tpu.memory_space<semaphore_mem>>)
      %dma_wait3A = arith.constant 0 : i32
      %dma_wait3A_86 = tpu.memref_slice %arg6[%add3A_14, %dma_wait3A] : memref<125x80xf32, #tpu.memory_space<vmem>> -> memref<1x80xf32, #tpu.memory_space<vmem>>
      %dma_wait3A_87 = tpu.memref_squeeze %dma_wait3A_86 : memref<1x80xf32, #tpu.memory_space<vmem>> -> memref<80xf32, #tpu.memory_space<vmem>>
      %dma_wait3A_88 = arith.constant 0 : i32
      %dma_wait3A_89 = tpu.memref_slice %arg5[%add3A_10, %dma_wait3A_88] : memref<125x80xi32, #tpu.memory_space<vmem>> -> memref<1x80xi32, #tpu.memory_space<vmem>>
      %dma_wait3A_90 = tpu.memref_squeeze %dma_wait3A_89 : memref<1x80xi32, #tpu.memory_space<vmem>> -> memref<80xi32, #tpu.memory_space<vmem>>
      %dma_wait3A_91 = arith.constant 0 : i32
      %dma_wait3A_92 = tpu.memref_slice %arg2[%dma_wait3A_91] : memref<10000xf32, #tpu.memory_space<hbm>> -> memref<10000xf32, #tpu.memory_space<hbm>>
      tpu.wait_indirect_dma semaphore(%arg7 : memref<!tpu.dma_semaphore, #tpu.memory_space<semaphore_mem>>) src(%dma_wait3A_92 : memref<10000xf32, #tpu.memory_space<hbm>>) dst(%dma_wait3A_87 : memref<80xf32, #tpu.memory_space<vmem>>)
      %dma_wait3A_93 = arith.constant 0 : i32
      %dma_wait3A_94 = tpu.memref_slice %arg6[%add3A_29, %dma_wait3A_93] : memref<125x80xf32, #tpu.memory_space<vmem>> -> memref<1x80xf32, #tpu.memory_space<vmem>>
      %dma_wait3A_95 = tpu.memref_squeeze %dma_wait3A_94 : memref<1x80xf32, #tpu.memory_space<vmem>> -> memref<80xf32, #tpu.memory_space<vmem>>
      %dma_wait3A_96 = arith.constant 0 : i32
      %dma_wait3A_97 = tpu.memref_slice %arg5[%add3A_25, %dma_wait3A_96] : memref<125x80xi32, #tpu.memory_space<vmem>> -> memref<1x80xi32, #tpu.memory_space<vmem>>
      %dma_wait3A_98 = tpu.memref_squeeze %dma_wait3A_97 : memref<1x80xi32, #tpu.memory_space<vmem>> -> memref<80xi32, #tpu.memory_space<vmem>>
      %dma_wait3A_99 = arith.constant 0 : i32
      %dma_wait3A_100 = tpu.memref_slice %arg2[%dma_wait3A_99] : memref<10000xf32, #tpu.memory_space<hbm>> -> memref<10000xf32, #tpu.memory_space<hbm>>
      tpu.wait_indirect_dma semaphore(%arg7 : memref<!tpu.dma_semaphore, #tpu.memory_space<semaphore_mem>>) src(%dma_wait3A_100 : memref<10000xf32, #tpu.memory_space<hbm>>) dst(%dma_wait3A_95 : memref<80xf32, #tpu.memory_space<vmem>>)
      %dma_wait3A_101 = arith.constant 0 : i32
      %dma_wait3A_102 = tpu.memref_slice %arg6[%add3A_45, %dma_wait3A_101] : memref<125x80xf32, #tpu.memory_space<vmem>> -> memref<1x80xf32, #tpu.memory_space<vmem>>
      %dma_wait3A_103 = tpu.memref_squeeze %dma_wait3A_102 : memref<1x80xf32, #tpu.memory_space<vmem>> -> memref<80xf32, #tpu.memory_space<vmem>>
      %dma_wait3A_104 = arith.constant 0 : i32
      %dma_wait3A_105 = tpu.memref_slice %arg5[%add3A_41, %dma_wait3A_104] : memref<125x80xi32, #tpu.memory_space<vmem>> -> memref<1x80xi32, #tpu.memory_space<vmem>>
      %dma_wait3A_106 = tpu.memref_squeeze %dma_wait3A_105 : memref<1x80xi32, #tpu.memory_space<vmem>> -> memref<80xi32, #tpu.memory_space<vmem>>
      %dma_wait3A_107 = arith.constant 0 : i32
      %dma_wait3A_108 = tpu.memref_slice %arg2[%dma_wait3A_107] : memref<10000xf32, #tpu.memory_space<hbm>> -> memref<10000xf32, #tpu.memory_space<hbm>>
      tpu.wait_indirect_dma semaphore(%arg7 : memref<!tpu.dma_semaphore, #tpu.memory_space<semaphore_mem>>) src(%dma_wait3A_108 : memref<10000xf32, #tpu.memory_space<hbm>>) dst(%dma_wait3A_103 : memref<80xf32, #tpu.memory_space<vmem>>)
      %dma_wait3A_109 = arith.constant 0 : i32
      %dma_wait3A_110 = tpu.memref_slice %arg6[%add3A_61, %dma_wait3A_109] : memref<125x80xf32, #tpu.memory_space<vmem>> -> memref<1x80xf32, #tpu.memory_space<vmem>>
      %dma_wait3A_111 = tpu.memref_squeeze %dma_wait3A_110 : memref<1x80xf32, #tpu.memory_space<vmem>> -> memref<80xf32, #tpu.memory_space<vmem>>
      %dma_wait3A_112 = arith.constant 0 : i32
      %dma_wait3A_113 = tpu.memref_slice %arg5[%add3A_57, %dma_wait3A_112] : memref<125x80xi32, #tpu.memory_space<vmem>> -> memref<1x80xi32, #tpu.memory_space<vmem>>
      %dma_wait3A_114 = tpu.memref_squeeze %dma_wait3A_113 : memref<1x80xi32, #tpu.memory_space<vmem>> -> memref<80xi32, #tpu.memory_space<vmem>>
      %dma_wait3A_115 = arith.constant 0 : i32
      %dma_wait3A_116 = tpu.memref_slice %arg2[%dma_wait3A_115] : memref<10000xf32, #tpu.memory_space<hbm>> -> memref<10000xf32, #tpu.memory_space<hbm>>
      tpu.wait_indirect_dma semaphore(%arg7 : memref<!tpu.dma_semaphore, #tpu.memory_space<semaphore_mem>>) src(%dma_wait3A_116 : memref<10000xf32, #tpu.memory_space<hbm>>) dst(%dma_wait3A_111 : memref<80xf32, #tpu.memory_space<vmem>>)
      %dma_wait3A_117 = arith.constant 0 : i32
      %dma_wait3A_118 = tpu.memref_slice %arg6[%add3A_77, %dma_wait3A_117] : memref<125x80xf32, #tpu.memory_space<vmem>> -> memref<1x80xf32, #tpu.memory_space<vmem>>
      %dma_wait3A_119 = tpu.memref_squeeze %dma_wait3A_118 : memref<1x80xf32, #tpu.memory_space<vmem>> -> memref<80xf32, #tpu.memory_space<vmem>>
      %dma_wait3A_120 = arith.constant 0 : i32
      %dma_wait3A_121 = tpu.memref_slice %arg5[%add3A_73, %dma_wait3A_120] : memref<125x80xi32, #tpu.memory_space<vmem>> -> memref<1x80xi32, #tpu.memory_space<vmem>>
      %dma_wait3A_122 = tpu.memref_squeeze %dma_wait3A_121 : memref<1x80xi32, #tpu.memory_space<vmem>> -> memref<80xi32, #tpu.memory_space<vmem>>
      %dma_wait3A_123 = arith.constant 0 : i32
      %dma_wait3A_124 = tpu.memref_slice %arg2[%dma_wait3A_123] : memref<10000xf32, #tpu.memory_space<hbm>> -> memref<10000xf32, #tpu.memory_space<hbm>>
      tpu.wait_indirect_dma semaphore(%arg7 : memref<!tpu.dma_semaphore, #tpu.memory_space<semaphore_mem>>) src(%dma_wait3A_124 : memref<10000xf32, #tpu.memory_space<hbm>>) dst(%dma_wait3A_119 : memref<80xf32, #tpu.memory_space<vmem>>)
    }
    %scan3A_5 = arith.constant 25 : i32
    "tpu.region"() ({
      %run_scoped3A = tpu.sem_alloc : memref<!tpu.dma_semaphore, #tpu.memory_space<semaphore_mem>>
      %dma_start3A = arith.constant 0 : i32
      %dma_start3A_6 = arith.constant 0 : i32
      %dma_start3A_7 = tpu.memref_slice %arg4[%add3A, %dma_start3A, %dma_start3A_6] : memref<32x125x80xf32, #tpu.memory_space<hbm>> -> memref<1x125x80xf32, #tpu.memory_space<hbm>>
      %dma_start3A_8 = tpu.memref_squeeze %dma_start3A_7 : memref<1x125x80xf32, #tpu.memory_space<hbm>> -> memref<125x80xf32, #tpu.memory_space<hbm>>
      %dma_start3A_9 = arith.constant 0 : i32
      %dma_start3A_10 = arith.constant 0 : i32
      %dma_start3A_11 = tpu.memref_slice %arg4[%add3A, %dma_start3A_9, %dma_start3A_10] : memref<32x125x80xf32, #tpu.memory_space<hbm>> -> memref<1x125x80xf32, #tpu.memory_space<hbm>>
      %dma_start3A_12 = tpu.memref_squeeze %dma_start3A_11 : memref<1x125x80xf32, #tpu.memory_space<hbm>> -> memref<125x80xf32, #tpu.memory_space<hbm>>
      tpu.enqueue_dma source(%arg6 : memref<125x80xf32, #tpu.memory_space<vmem>>) target(%dma_start3A_12 : memref<125x80xf32, #tpu.memory_space<hbm>>) target_semaphore(%run_scoped3A : memref<!tpu.dma_semaphore, #tpu.memory_space<semaphore_mem>>)
      %dma_wait3A = arith.constant 0 : i32
      %dma_wait3A_13 = arith.constant 0 : i32
      %dma_wait3A_14 = tpu.memref_slice %arg4[%add3A, %dma_wait3A, %dma_wait3A_13] : memref<32x125x80xf32, #tpu.memory_space<hbm>> -> memref<1x125x80xf32, #tpu.memory_space<hbm>>
      %dma_wait3A_15 = tpu.memref_squeeze %dma_wait3A_14 : memref<1x125x80xf32, #tpu.memory_space<hbm>> -> memref<125x80xf32, #tpu.memory_space<hbm>>
      %dma_wait3A_16 = arith.constant 0 : i32
      %dma_wait3A_17 = arith.constant 0 : i32
      %dma_wait3A_18 = tpu.memref_slice %arg4[%add3A, %dma_wait3A_16, %dma_wait3A_17] : memref<32x125x80xf32, #tpu.memory_space<hbm>> -> memref<1x125x80xf32, #tpu.memory_space<hbm>>
      %dma_wait3A_19 = tpu.memref_squeeze %dma_wait3A_18 : memref<1x125x80xf32, #tpu.memory_space<hbm>> -> memref<125x80xf32, #tpu.memory_space<hbm>>
      tpu.wait_dma2 semaphore(%run_scoped3A : memref<!tpu.dma_semaphore, #tpu.memory_space<semaphore_mem>>) src(%arg6 : memref<125x80xf32, #tpu.memory_space<vmem>>) dst(%dma_wait3A_19 : memref<125x80xf32, #tpu.memory_space<hbm>>)
      tpu.yield
    }) : () -> ()
    return
  }
}

module attributes {stable_mosaic.version = 14 : i64} {
  func.func @_tc1_body(%arg0: i32, %arg1: memref<1000x128xf32, #tpu.memory_space<vmem>>, %arg2: memref<128x128xf32, #tpu.memory_space<vmem>>, %arg3: memref<128x128xf32, #tpu.memory_space<vmem>>, %arg4: memref<128x128xf32, #tpu.memory_space<vmem>>, %arg5: memref<128x128xf32, #tpu.memory_space<vmem>>, %arg6: memref<128xf32, #tpu.memory_space<vmem>>, %arg7: memref<128xf32, #tpu.memory_space<vmem>>, %arg8: memref<128xf32, #tpu.memory_space<vmem>>, %arg9: memref<128xf32, #tpu.memory_space<vmem>>, %arg10: memref<1000x256xf32, #tpu.memory_space<vmem>>, %arg11: memref<1000x128xf32, #tpu.memory_space<vmem>>, %arg12: memref<1000x128xf32, #tpu.memory_space<vmem>>) attributes {dimension_semantics = [#tpu.dimension_semantics<arbitrary>], iteration_bounds = array<i64: 10>, scalar_prefetch = 0 : i64, scratch_operands = 0 : i64, tpu.core_type = #tpu.core_type<tc>, window_params = [{transform_indices = @transform_0, window_bounds = array<i64: 1000, 128>}, {pipeline_mode = #tpu.pipeline_mode<synchronous>, transform_indices = @transform_1, window_bounds = array<i64: 128, 128>}, {pipeline_mode = #tpu.pipeline_mode<synchronous>, transform_indices = @transform_2, window_bounds = array<i64: 128, 128>}, {pipeline_mode = #tpu.pipeline_mode<synchronous>, transform_indices = @transform_3, window_bounds = array<i64: 128, 128>}, {pipeline_mode = #tpu.pipeline_mode<synchronous>, transform_indices = @transform_4, window_bounds = array<i64: 128, 128>}, {pipeline_mode = #tpu.pipeline_mode<synchronous>, transform_indices = @transform_5, window_bounds = array<i64: 128>}, {pipeline_mode = #tpu.pipeline_mode<synchronous>, transform_indices = @transform_6, window_bounds = array<i64: 128>}, {pipeline_mode = #tpu.pipeline_mode<synchronous>, transform_indices = @transform_7, window_bounds = array<i64: 128>}, {pipeline_mode = #tpu.pipeline_mode<synchronous>, transform_indices = @transform_8, window_bounds = array<i64: 128>}, {transform_indices = @transform_9, window_bounds = array<i64: 1000, 256>}, {transform_indices = @transform_10, window_bounds = array<i64: 1000, 128>}, {transform_indices = @transform_11, window_bounds = array<i64: 1000, 128>}]} {
    %get3A = arith.constant 0 : index
    %get3A_0 = arith.constant 0 : index
    %get3A_1 = vector.load %arg1[%get3A, %get3A_0] : memref<1000x128xf32, #tpu.memory_space<vmem>>, vector<1000x128xf32>
    %get3A_2 = arith.constant 0 : index
    %get3A_3 = arith.constant 0 : index
    %get3A_4 = vector.load %arg2[%get3A_2, %get3A_3] : memref<128x128xf32, #tpu.memory_space<vmem>>, vector<128x128xf32>
    %dot_general3A = arith.constant dense<0.000000e+00> : vector<1000x128xf32>
    %dot_general3A_5 = tpu.matmul %get3A_1, %get3A_4, %dot_general3A {dimension_numbers = #tpu.dot_dimension_numbers<[1], [0], [0], [1], [0, 0, 1, 1], [], []>, transpose_lhs_hint = false} : vector<1000x128xf32>, vector<128x128xf32>, vector<1000x128xf32> -> vector<1000x128xf32>
    %get3A_6 = arith.constant 0 : index
    %get3A_7 = vector.load %arg6[%get3A_6] : memref<128xf32, #tpu.memory_space<vmem>>, vector<128xf32>
    %broadcast_in_dim3A = vector.shape_cast %get3A_7 : vector<128xf32> to vector<1x128xf32>
    %add3A = vector.broadcast %broadcast_in_dim3A : vector<1x128xf32> to vector<1000x128xf32>
    %add3A_8 = arith.addf %dot_general3A_5, %add3A : vector<1000x128xf32>
    %swap3A = arith.constant 0 : index
    %swap3A_9 = arith.constant 0 : index
    %swap3A_10 = vector.load %arg10[%swap3A, %swap3A_9] : memref<1000x256xf32, #tpu.memory_space<vmem>>, vector<1000x128xf32>
    tpu.vector_store %arg10[%swap3A, %swap3A_9], %add3A_8 {strides = array<i32>} : memref<1000x256xf32, #tpu.memory_space<vmem>>, vector<1000x128xf32>,
    %get3A_11 = arith.constant 0 : index
    %get3A_12 = arith.constant 0 : index
    %get3A_13 = vector.load %arg3[%get3A_11, %get3A_12] : memref<128x128xf32, #tpu.memory_space<vmem>>, vector<128x128xf32>
    %dot_general3A_14 = arith.constant dense<0.000000e+00> : vector<1000x128xf32>
    %dot_general3A_15 = tpu.matmul %get3A_1, %get3A_13, %dot_general3A_14 {dimension_numbers = #tpu.dot_dimension_numbers<[1], [0], [0], [1], [0, 0, 1, 1], [], []>, transpose_lhs_hint = false} : vector<1000x128xf32>, vector<128x128xf32>, vector<1000x128xf32> -> vector<1000x128xf32>
    %get3A_16 = arith.constant 0 : index
    %get3A_17 = vector.load %arg7[%get3A_16] : memref<128xf32, #tpu.memory_space<vmem>>, vector<128xf32>
    %broadcast_in_dim3A_18 = vector.shape_cast %get3A_17 : vector<128xf32> to vector<1x128xf32>
    %add3A_19 = vector.broadcast %broadcast_in_dim3A_18 : vector<1x128xf32> to vector<1000x128xf32>
    %add3A_20 = arith.addf %dot_general3A_15, %add3A_19 : vector<1000x128xf32>
    %swap3A_21 = arith.constant 0 : index
    %swap3A_22 = arith.constant 128 : index
    %swap3A_23 = vector.load %arg10[%swap3A_21, %swap3A_22] : memref<1000x256xf32, #tpu.memory_space<vmem>>, vector<1000x128xf32>
    tpu.vector_store %arg10[%swap3A_21, %swap3A_22], %add3A_20 {strides = array<i32>} : memref<1000x256xf32, #tpu.memory_space<vmem>>, vector<1000x128xf32>,
    %get3A_24 = arith.constant 0 : index
    %get3A_25 = arith.constant 0 : index
    %get3A_26 = vector.load %arg4[%get3A_24, %get3A_25] : memref<128x128xf32, #tpu.memory_space<vmem>>, vector<128x128xf32>
    %dot_general3A_27 = arith.constant dense<0.000000e+00> : vector<1000x128xf32>
    %dot_general3A_28 = tpu.matmul %get3A_1, %get3A_26, %dot_general3A_27 {dimension_numbers = #tpu.dot_dimension_numbers<[1], [0], [0], [1], [0, 0, 1, 1], [], []>, transpose_lhs_hint = false} : vector<1000x128xf32>, vector<128x128xf32>, vector<1000x128xf32> -> vector<1000x128xf32>
    %get3A_29 = arith.constant 0 : index
    %get3A_30 = vector.load %arg8[%get3A_29] : memref<128xf32, #tpu.memory_space<vmem>>, vector<128xf32>
    %broadcast_in_dim3A_31 = vector.shape_cast %get3A_30 : vector<128xf32> to vector<1x128xf32>
    %add3A_32 = vector.broadcast %broadcast_in_dim3A_31 : vector<1x128xf32> to vector<1000x128xf32>
    %add3A_33 = arith.addf %dot_general3A_28, %add3A_32 : vector<1000x128xf32>
    %swap3A_34 = arith.constant 0 : index
    %swap3A_35 = arith.constant 0 : index
    %swap3A_36 = vector.load %arg11[%swap3A_34, %swap3A_35] : memref<1000x128xf32, #tpu.memory_space<vmem>>, vector<1000x128xf32>
    tpu.vector_store %arg11[%swap3A_34, %swap3A_35], %add3A_33 {strides = array<i32>} : memref<1000x128xf32, #tpu.memory_space<vmem>>, vector<1000x128xf32>,
    %get3A_37 = arith.constant 0 : index
    %get3A_38 = arith.constant 0 : index
    %get3A_39 = vector.load %arg5[%get3A_37, %get3A_38] : memref<128x128xf32, #tpu.memory_space<vmem>>, vector<128x128xf32>
    %dot_general3A_40 = arith.constant dense<0.000000e+00> : vector<1000x128xf32>
    %dot_general3A_41 = tpu.matmul %get3A_1, %get3A_39, %dot_general3A_40 {dimension_numbers = #tpu.dot_dimension_numbers<[1], [0], [0], [1], [0, 0, 1, 1], [], []>, transpose_lhs_hint = false} : vector<1000x128xf32>, vector<128x128xf32>, vector<1000x128xf32> -> vector<1000x128xf32>
    %get3A_42 = arith.constant 0 : index
    %get3A_43 = vector.load %arg9[%get3A_42] : memref<128xf32, #tpu.memory_space<vmem>>, vector<128xf32>
    %broadcast_in_dim3A_44 = vector.shape_cast %get3A_43 : vector<128xf32> to vector<1x128xf32>
    %add3A_45 = vector.broadcast %broadcast_in_dim3A_44 : vector<1x128xf32> to vector<1000x128xf32>
    %add3A_46 = arith.addf %dot_general3A_41, %add3A_45 : vector<1000x128xf32>
    %swap3A_47 = arith.constant 0 : index
    %swap3A_48 = arith.constant 0 : index
    %swap3A_49 = vector.load %arg12[%swap3A_47, %swap3A_48] : memref<1000x128xf32, #tpu.memory_space<vmem>>, vector<1000x128xf32>
    tpu.vector_store %arg12[%swap3A_47, %swap3A_48], %add3A_46 {strides = array<i32>} : memref<1000x128xf32, #tpu.memory_space<vmem>>, vector<1000x128xf32>,
    return
  }
  func.func @transform_0(%arg0: i32) -> (i32, i32) {
    %c0_i32 = arith.constant 0 : i32
    %c0_i32_0 = arith.constant 0 : i32
    return %arg0, %c0_i32 : i32, i32
  }
  func.func @transform_1(%arg0: i32) -> (i32, i32) {
    %c0_i32 = arith.constant 0 : i32
    %c0_i32_0 = arith.constant 0 : i32
    %c0_i32_1 = arith.constant 0 : i32
    return %c0_i32, %c0_i32_0 : i32, i32
  }
  func.func @transform_2(%arg0: i32) -> (i32, i32) {
    %c0_i32 = arith.constant 0 : i32
    %c0_i32_0 = arith.constant 0 : i32
    %c0_i32_1 = arith.constant 0 : i32
    return %c0_i32, %c0_i32_0 : i32, i32
  }
  func.func @transform_3(%arg0: i32) -> (i32, i32) {
    %c0_i32 = arith.constant 0 : i32
    %c0_i32_0 = arith.constant 0 : i32
    %c0_i32_1 = arith.constant 0 : i32
    return %c0_i32, %c0_i32_0 : i32, i32
  }
  func.func @transform_4(%arg0: i32) -> (i32, i32) {
    %c0_i32 = arith.constant 0 : i32
    %c0_i32_0 = arith.constant 0 : i32
    %c0_i32_1 = arith.constant 0 : i32
    return %c0_i32, %c0_i32_0 : i32, i32
  }
  func.func @transform_5(%arg0: i32) -> i32 {
    %c0_i32 = arith.constant 0 : i32
    %c0_i32_0 = arith.constant 0 : i32
    return %c0_i32 : i32
  }
  func.func @transform_6(%arg0: i32) -> i32 {
    %c0_i32 = arith.constant 0 : i32
    %c0_i32_0 = arith.constant 0 : i32
    return %c0_i32 : i32
  }
  func.func @transform_7(%arg0: i32) -> i32 {
    %c0_i32 = arith.constant 0 : i32
    %c0_i32_0 = arith.constant 0 : i32
    return %c0_i32 : i32
  }
  func.func @transform_8(%arg0: i32) -> i32 {
    %c0_i32 = arith.constant 0 : i32
    %c0_i32_0 = arith.constant 0 : i32
    return %c0_i32 : i32
  }
  func.func @transform_9(%arg0: i32) -> (i32, i32) {
    %c0_i32 = arith.constant 0 : i32
    %c0_i32_0 = arith.constant 0 : i32
    return %arg0, %c0_i32 : i32, i32
  }
  func.func @transform_10(%arg0: i32) -> (i32, i32) {
    %c0_i32 = arith.constant 0 : i32
    %c0_i32_0 = arith.constant 0 : i32
    return %arg0, %c0_i32 : i32, i32
  }
  func.func @transform_11(%arg0: i32) -> (i32, i32) {
    %c0_i32 = arith.constant 0 : i32
    %c0_i32_0 = arith.constant 0 : i32
    return %arg0, %c0_i32 : i32, i32
  }
}

module attributes {stable_mosaic.version = 14 : i64} {
  func.func @_tc2_body(%arg0: i32, %arg1: memref<1x1x2560xf32, #tpu.memory_space<vmem>>, %arg2: memref<1x1x2560xf32, #tpu.memory_space<vmem>>, %arg3: memref<2560x16xf32, #tpu.memory_space<vmem>>, %arg4: memref<1x16xf32, #tpu.memory_space<vmem>>, %arg5: memref<16xf32, #tpu.memory_space<vmem>>, %arg6: memref<32x128xf32, #tpu.memory_space<vmem>>, %arg7: memref<2560x128xf32, #tpu.memory_space<vmem>>) attributes {dimension_semantics = [#tpu.dimension_semantics<arbitrary>], iteration_bounds = array<i64: 125>, scalar_prefetch = 0 : i64, scratch_operands = 0 : i64, tpu.core_type = #tpu.core_type<tc>, window_params = [{transform_indices = @transform_0, window_bounds = array<i64: 1, 1, 2560>}, {transform_indices = @transform_1, window_bounds = array<i64: 1, 1, 2560>}, {transform_indices = @transform_2, window_bounds = array<i64: 2560, 16>}, {pipeline_mode = #tpu.pipeline_mode<synchronous>, transform_indices = @transform_3, window_bounds = array<i64: 1, 16>}, {pipeline_mode = #tpu.pipeline_mode<synchronous>, transform_indices = @transform_4, window_bounds = array<i64: 16>}, {pipeline_mode = #tpu.pipeline_mode<synchronous>, transform_indices = @transform_5, window_bounds = array<i64: 32, 128>}, {transform_indices = @transform_6, window_bounds = array<i64: 2560, 128>}]} {
    %get3A = arith.constant 0 : index
    %get3A_0 = arith.constant 0 : index
    %get3A_1 = arith.constant 0 : index
    %get3A_2 = vector.load %arg1[%get3A, %get3A_0, %get3A_1] : memref<1x1x2560xf32, #tpu.memory_space<vmem>>, vector<1x1x2560xf32>
    %get3A_3 = vector.shape_cast %get3A_2 : vector<1x1x2560xf32> to vector<2560xf32>
    %get3A_4 = arith.constant 0 : index
    %get3A_5 = arith.constant 0 : index
    %get3A_6 = arith.constant 0 : index
    %get3A_7 = vector.load %arg2[%get3A_4, %get3A_5, %get3A_6] : memref<1x1x2560xf32, #tpu.memory_space<vmem>>, vector<1x1x2560xf32>
    %get3A_8 = vector.shape_cast %get3A_7 : vector<1x1x2560xf32> to vector<2560xf32>
    %sub3A = arith.subf %get3A_3, %get3A_8 : vector<2560xf32>
    %broadcast_in_dim3A = vector.shape_cast %sub3A : vector<2560xf32> to vector<2560x1xf32>
    %get3A_9 = arith.constant 0 : index
    %get3A_10 = arith.constant 0 : index
    %get3A_11 = vector.load %arg4[%get3A_9, %get3A_10] : memref<1x16xf32, #tpu.memory_space<vmem>>, vector<1x16xf32>
    %get3A_12 = vector.shape_cast %get3A_11 : vector<1x16xf32> to vector<16xf32>
    %broadcast_in_dim3A_13 = vector.shape_cast %get3A_12 : vector<16xf32> to vector<1x16xf32>
    %mul3A = vector.broadcast %broadcast_in_dim3A : vector<2560x1xf32> to vector<2560x16xf32>
    %mul3A_14 = vector.broadcast %broadcast_in_dim3A_13 : vector<1x16xf32> to vector<2560x16xf32>
    %mul3A_15 = arith.mulf %mul3A, %mul3A_14 : vector<2560x16xf32>
    %get3A_16 = arith.constant 0 : index
    %get3A_17 = vector.load %arg5[%get3A_16] : memref<16xf32, #tpu.memory_space<vmem>>, vector<16xf32>
    %broadcast_in_dim3A_18 = vector.shape_cast %get3A_17 : vector<16xf32> to vector<1x16xf32>
    %add3A = vector.broadcast %broadcast_in_dim3A_18 : vector<1x16xf32> to vector<2560x16xf32>
    %add3A_19 = arith.addf %mul3A_15, %add3A : vector<2560x16xf32>
    %cos3A = math.cos %add3A_19 : vector<2560x16xf32>
    %get3A_20 = arith.constant 0 : index
    %get3A_21 = arith.constant 0 : index
    %get3A_22 = vector.load %arg6[%get3A_20, %get3A_21] : memref<32x128xf32, #tpu.memory_space<vmem>>, vector<16x128xf32>
    %dot_general3A = arith.constant dense<0.000000e+00> : vector<2560x128xf32>
    %dot_general3A_23 = tpu.matmul %cos3A, %get3A_22, %dot_general3A {dimension_numbers = #tpu.dot_dimension_numbers<[1], [0], [0], [1], [0, 0, 1, 1], [], []>, transpose_lhs_hint = false} : vector<2560x16xf32>, vector<16x128xf32>, vector<2560x128xf32> -> vector<2560x128xf32>
    %get3A_24 = arith.constant 0 : index
    %get3A_25 = arith.constant 0 : index
    %get3A_26 = vector.load %arg3[%get3A_24, %get3A_25] : memref<2560x16xf32, #tpu.memory_space<vmem>>, vector<2560x16xf32>
    %get3A_27 = arith.constant 16 : index
    %get3A_28 = arith.constant 0 : index
    %get3A_29 = vector.load %arg6[%get3A_27, %get3A_28] : memref<32x128xf32, #tpu.memory_space<vmem>>, vector<16x128xf32>
    %dot_general3A_30 = arith.constant dense<0.000000e+00> : vector<2560x128xf32>
    %dot_general3A_31 = tpu.matmul %get3A_26, %get3A_29, %dot_general3A_30 {dimension_numbers = #tpu.dot_dimension_numbers<[1], [0], [0], [1], [0, 0, 1, 1], [], []>, transpose_lhs_hint = false} : vector<2560x16xf32>, vector<16x128xf32>, vector<2560x128xf32> -> vector<2560x128xf32>
    %add3A_32 = arith.addf %dot_general3A_23, %dot_general3A_31 : vector<2560x128xf32>
    %swap3A = arith.constant 0 : index
    %swap3A_33 = arith.constant 0 : index
    %swap3A_34 = vector.load %arg7[%swap3A, %swap3A_33] : memref<2560x128xf32, #tpu.memory_space<vmem>>, vector<2560x128xf32>
    tpu.vector_store %arg7[%swap3A, %swap3A_33], %add3A_32 {strides = array<i32>} : memref<2560x128xf32, #tpu.memory_space<vmem>>, vector<2560x128xf32>,
    return
  }
  func.func @transform_0(%arg0: i32) -> (i32, i32, i32) {
    %c0_i32 = arith.constant 0 : i32
    %c0_i32_0 = arith.constant 0 : i32
    %c0_i32_1 = arith.constant 0 : i32
    return %arg0, %c0_i32, %c0_i32_0 : i32, i32, i32
  }
  func.func @transform_1(%arg0: i32) -> (i32, i32, i32) {
    %c0_i32 = arith.constant 0 : i32
    %c0_i32_0 = arith.constant 0 : i32
    %c0_i32_1 = arith.constant 0 : i32
    return %arg0, %c0_i32, %c0_i32_0 : i32, i32, i32
  }
  func.func @transform_2(%arg0: i32) -> (i32, i32) {
    %c0_i32 = arith.constant 0 : i32
    %c0_i32_0 = arith.constant 0 : i32
    return %arg0, %c0_i32 : i32, i32
  }
  func.func @transform_3(%arg0: i32) -> (i32, i32) {
    %c0_i32 = arith.constant 0 : i32
    %c0_i32_0 = arith.constant 0 : i32
    %c0_i32_1 = arith.constant 0 : i32
    return %c0_i32, %c0_i32_0 : i32, i32
  }
  func.func @transform_4(%arg0: i32) -> i32 {
    %c0_i32 = arith.constant 0 : i32
    %c0_i32_0 = arith.constant 0 : i32
    return %c0_i32 : i32
  }
  func.func @transform_5(%arg0: i32) -> (i32, i32) {
    %c0_i32 = arith.constant 0 : i32
    %c0_i32_0 = arith.constant 0 : i32
    %c0_i32_1 = arith.constant 0 : i32
    return %c0_i32, %c0_i32_0 : i32, i32
  }
  func.func @transform_6(%arg0: i32) -> (i32, i32) {
    %c0_i32 = arith.constant 0 : i32
    %c0_i32_0 = arith.constant 0 : i32
    return %arg0, %c0_i32 : i32, i32
  }
}

module attributes {stable_mosaic.version = 14 : i64} {
  func.func @_tc3_body(%arg0: i32, %arg1: memref<2x1000x128xf32, #tpu.memory_space<vmem>>, %arg2: memref<2x1000x2xf32, #tpu.memory_space<vmem>>, %arg3: memref<1000x128xf32, #tpu.memory_space<vmem>>, %arg4: memref<1000x128xf32, #tpu.memory_space<vmem>>) attributes {dimension_semantics = [#tpu.dimension_semantics<arbitrary>], iteration_bounds = array<i64: 10>, scalar_prefetch = 0 : i64, scratch_operands = 0 : i64, tpu.core_type = #tpu.core_type<tc>, window_params = [{transform_indices = @transform_0, window_bounds = array<i64: 2, 1000, 128>}, {transform_indices = @transform_1, window_bounds = array<i64: 2, 1000, 2>}, {transform_indices = @transform_2, window_bounds = array<i64: 1000, 128>}, {transform_indices = @transform_3, window_bounds = array<i64: 1000, 128>}]} {
    %get3A = arith.constant 0 : index
    %get3A_0 = arith.constant 0 : index
    %get3A_1 = arith.constant 0 : index
    %get3A_2 = vector.load %arg1[%get3A, %get3A_0, %get3A_1] : memref<2x1000x128xf32, #tpu.memory_space<vmem>>, vector<1x1000x128xf32>
    %get3A_3 = vector.shape_cast %get3A_2 : vector<1x1000x128xf32> to vector<1000x128xf32>
    %get3A_4 = arith.constant 1 : index
    %get3A_5 = arith.constant 0 : index
    %get3A_6 = arith.constant 0 : index
    %get3A_7 = vector.load %arg1[%get3A_4, %get3A_5, %get3A_6] : memref<2x1000x128xf32, #tpu.memory_space<vmem>>, vector<1x1000x128xf32>
    %get3A_8 = vector.shape_cast %get3A_7 : vector<1x1000x128xf32> to vector<1000x128xf32>
    %add3A = arith.addf %get3A_3, %get3A_8 : vector<1000x128xf32>
    %get3A_9 = arith.constant 0 : index
    %get3A_10 = arith.constant 0 : index
    %get3A_11 = arith.constant 0 : index
    %get3A_12 = vector.load %arg2[%get3A_9, %get3A_10, %get3A_11] : memref<2x1000x2xf32, #tpu.memory_space<vmem>>, vector<1x1000x2xf32>
    %get3A_13 = vector.shape_cast %get3A_12 : vector<1x1000x2xf32> to vector<1000x2xf32>
    %get3A_14 = arith.constant 1 : index
    %get3A_15 = arith.constant 0 : index
    %get3A_16 = arith.constant 0 : index
    %get3A_17 = vector.load %arg2[%get3A_14, %get3A_15, %get3A_16] : memref<2x1000x2xf32, #tpu.memory_space<vmem>>, vector<1x1000x2xf32>
    %get3A_18 = vector.shape_cast %get3A_17 : vector<1x1000x2xf32> to vector<1000x2xf32>
    %add3A_19 = arith.addf %get3A_13, %get3A_18 : vector<1000x2xf32>
    %slice3A = vector.extract_strided_slice %add3A_19 {offsets = [0, 0], sizes = [1000, 1], strides = [1, 1]} : vector<1000x2xf32> to vector<1000x1xf32>
    %slice3A_20 = vector.extract_strided_slice %add3A_19 {offsets = [0, 1], sizes = [1000, 1], strides = [1, 1]} : vector<1000x2xf32> to vector<1000x1xf32>
    %gt3A = arith.constant 0.000000e+00 : f32
    %gt3A_21 = vector.broadcast %gt3A : f32 to vector<1000x1xf32>
    %gt3A_22 = arith.cmpf ogt, %slice3A, %gt3A_21 : vector<1000x1xf32>
    %slice3A_23 = vector.extract_strided_slice %add3A {offsets = [0, 0], sizes = [1000, 64], strides = [1, 1]} : vector<1000x128xf32> to vector<1000x64xf32>
    %div3A = vector.broadcast %slice3A : vector<1000x1xf32> to vector<1000x64xf32>
    %div3A_24 = arith.divf %slice3A_23, %div3A : vector<1000x64xf32>
    %jit3A = arith.constant 0.000000e+00 : f32
    %broadcast_in_dim3A = vector.shape_cast %gt3A_22 : vector<1000x1xi1> to vector<1000x1xi1>
    %broadcast_in_dim3A_25 = vector.broadcast %broadcast_in_dim3A : vector<1000x1xi1> to vector<1000x64xi1>
    %broadcast_in_dim3A_26 = vector.broadcast %jit3A : f32 to vector<1000x64xf32>
    %select_n3A = arith.select %broadcast_in_dim3A_25, %div3A_24, %broadcast_in_dim3A_26 : vector<1000x64xi1>, vector<1000x64xf32>
    %gt3A_27 = arith.constant 0.000000e+00 : f32
    %gt3A_28 = vector.broadcast %gt3A_27 : f32 to vector<1000x1xf32>
    %gt3A_29 = arith.cmpf ogt, %slice3A_20, %gt3A_28 : vector<1000x1xf32>
    %slice3A_30 = vector.extract_strided_slice %add3A {offsets = [0, 64], sizes = [1000, 64], strides = [1, 1]} : vector<1000x128xf32> to vector<1000x64xf32>
    %div3A_31 = vector.broadcast %slice3A_20 : vector<1000x1xf32> to vector<1000x64xf32>
    %div3A_32 = arith.divf %slice3A_30, %div3A_31 : vector<1000x64xf32>
    %jit3A_33 = arith.constant 0.000000e+00 : f32
    %broadcast_in_dim3A_34 = vector.shape_cast %gt3A_29 : vector<1000x1xi1> to vector<1000x1xi1>
    %broadcast_in_dim3A_35 = vector.broadcast %broadcast_in_dim3A_34 : vector<1000x1xi1> to vector<1000x64xi1>
    %broadcast_in_dim3A_36 = vector.broadcast %jit3A_33 : f32 to vector<1000x64xf32>
    %select_n3A_37 = arith.select %broadcast_in_dim3A_35, %div3A_32, %broadcast_in_dim3A_36 : vector<1000x64xi1>, vector<1000x64xf32>
    %concatenate3A = tpu.concatenate %select_n3A, %select_n3A_37 in 1 : vector<1000x64xf32>, vector<1000x64xf32> -> vector<1000x128xf32>
    %get3A_38 = arith.constant 0 : index
    %get3A_39 = arith.constant 0 : index
    %get3A_40 = vector.load %arg3[%get3A_38, %get3A_39] : memref<1000x128xf32, #tpu.memory_space<vmem>>, vector<1000x128xf32>
    %add3A_41 = arith.addf %concatenate3A, %get3A_40 : vector<1000x128xf32>
    %swap3A = arith.constant 0 : index
    %swap3A_42 = arith.constant 0 : index
    %swap3A_43 = vector.load %arg4[%swap3A, %swap3A_42] : memref<1000x128xf32, #tpu.memory_space<vmem>>, vector<1000x128xf32>
    tpu.vector_store %arg4[%swap3A, %swap3A_42], %add3A_41 {strides = array<i32>} : memref<1000x128xf32, #tpu.memory_space<vmem>>, vector<1000x128xf32>,
    return
  }
  func.func @transform_0(%arg0: i32) -> (i32, i32, i32) {
    %c0_i32 = arith.constant 0 : i32
    %c0_i32_0 = arith.constant 0 : i32
    %c0_i32_1 = arith.constant 0 : i32
    return %c0_i32, %arg0, %c0_i32_0 : i32, i32, i32
  }
  func.func @transform_1(%arg0: i32) -> (i32, i32, i32) {
    %c0_i32 = arith.constant 0 : i32
    %c0_i32_0 = arith.constant 0 : i32
    %c0_i32_1 = arith.constant 0 : i32
    return %c0_i32, %arg0, %c0_i32_0 : i32, i32, i32
  }
  func.func @transform_2(%arg0: i32) -> (i32, i32) {
    %c0_i32 = arith.constant 0 : i32
    %c0_i32_0 = arith.constant 0 : i32
    return %arg0, %c0_i32 : i32, i32
  }
  func.func @transform_3(%arg0: i32) -> (i32, i32) {
    %c0_i32 = arith.constant 0 : i32
    %c0_i32_0 = arith.constant 0 : i32
    return %arg0, %c0_i32 : i32, i32
  }
}

</mosaic_0001>

<sc_bundles>
// kernel: kernel.10.cloned.1.call-start
scs
__scs_entry_jumppad:
0x0: {  	(pc) =	sbr.rel $0x88, $3  }
0x1: {  	(tag) =	ssettag $0x0;
	lr =	simm.s32 $0x1  }
0x2: {  	[smem:$0x3F91] =	sst lr;
	_ =	strace $0xD0000000  }
0x3: {  	_ = 	snop  }
0x4: {  	_ = 	snop  }
0x5: {  	_ = 	snop  }
0x6: {  	_ = 	snop  }
0x7: {  	_ = 	snop  }
__scs_overlays_trampoline_lowered:
0x8: {  	[smem:$0x3FA0] =	sst s0  }
0x9: {  	[smem:$0x3FA1] =	sst s1  }
0xa: {  	[smem:$0x3FA2] =	sst s2  }
0xb: {  	[smem:$0x3FA3] =	sst s3  }
0xc: {  	[smem:$0x3FA4] =	sst s4  }
0xd: {  	[smem:$0x3FA5] =	sst s5  }
0xe: {  	[smem:$0x3FA6] =	sst s6  }
0xf: {  	[smem:$0x3FA7] =	sst s7  }
0x10: {  	[smem:$0x3FA8] =	sst s8  }
0x11: {  	[smem:$0x3FA9] =	sst s9;
	s0 =	simm.s32 @!p0 $0x0  }
0x12: {  	s1 =	sld [smem:$0x3F8F];
	s0 =	simm.s32 @p0 $0x1  }
0x13: {  	[smem:$0x3FAA] =	sst s0;
	s0 =	simm.s32 @!p1 $0x0  }
0x14: {  	s2 =	sld [smem:$0x3F8E];
	s0 =	simm.s32 @p1 $0x1  }
0x15: {  	[smem:$0x3FAB] =	sst s0;
	s0 =	simm.s32 @!p2 $0x0  }
0x16: {  	s3 =	sld [smem:$0x3FDB];
	s0 =	simm.s32 @p2 $0x1  }
0x17: {  	s4 =	simm.s32 $0x1BF5;
	[smem:$0x3FAD] =	sst s0  }
0x18: {  	s0 =	sld [smem:$0x3F90];
	_ =	swait.ge [sflag:s4], $0x0  }
0x19: {  	s7 =	sld [smem:$0x3F91]  }
0x1a: {  	s8 =	sadd.s32 $0xFFFFE003, lr  }
0x1b: {  	s9 =	sadd.s32 $0xFFFFFEF7, lr;
	s5 =	simm.s32 $0xFFFFFFFF;
	p2 =	slt.u32 s8, $0xFFFFF086  }
0x1c: {  	p1 =	slt.u32 s9, $0xF7A;
	s5 =	simm.s32 @!p2 $0x0  }
0x1d: {  	s5 =	simm.s32 @p1 $0x1;
	p0 =	seq.s32 s7, s2  }
0x1e: {  	s7 =	smul.u32 @!p0 $0xF7A, s2;
	p2 =	seq.s32 @!p0 s5, $0x0  }
0x1f: {  	s9 =	smul.u32 $0xF7A, s1;
	s8 =	simm.s32 @!p0 $0x1BF5;
	p2 =	por !p2, p0  }
0x20: {  	[sflag:s8] =	ssyncset.s32 @!p0 $0xFFFFF086;
	s6 =	sadd.s32 @!p0 s3, s7;
	s7 =	simm.s32 @!p0 $0x108  }
0x21: {  	s3 =	sadd.s32 s3, s9;
	s6 =	sadd.s32 @!p0 $0x88, s6;
	s7 =	simm.s32 @p2 $0x1082  }
0x22: {  	[simem:s7], [sflag:s8] =	dma.local @!p0 [hbm:s6], $0xF7A  }
0x23: {  	s9 =	sor.u32 $0xD0000000, s2;
	s6 =	simm.s32 $0x108;
	_ =	swait.ge @!p0 [sflag:s8], $0x0  }
0x24: {  	s3 =	sadd.s32 $0x88, s3;
	s6 =	simm.s32 @!p1 $0x1082;
	[sflag:s4] =	ssyncset.s32 $0xFFFFF086  }
0x25: {  	[simem:s6], [sflag:s4] =	dma.local [hbm:s3], $0xF7A  }
0x26: {  	[smem:$0x3F91] =	sst s1;
	(tag) =	ssettag s2;
	_ =	strace s9  }
0x27: {  	s1 =	sld [smem:$0x3FA1]  }
0x28: {  	s2 =	sld [smem:$0x3FA2]  }
0x29: {  	s4 =	sld [smem:$0x3FA4]  }
0x2a: {  	p0 =	seq.s32 s5, $0x0;
	s5 =	sld [smem:$0x3FA5]  }
0x2b: {  	s6 =	sld [smem:$0x3FA6]  }
0x2c: {  	s7 =	sld [smem:$0x3FA7]  }
0x2d: {  	s3 =	simm.s32 $0x108;
	s8 =	sld [smem:$0x3FA8]  }
0x2e: {  	s3 =	simm.s32 @!p0 $0x1082;
	s9 =	sld [smem:$0x3FA9]  }
0x2f: {  	lr =	sadd.s32 s0, s3;
	s0 =	sld [smem:$0x3FA0]  }
0x30: {  	s3 =	sld [smem:$0x3FA3]  }
0x31: {  	[smem:$0x3FAC] =	sst s10  }
0x32: {  	s10 =	sld [smem:$0x3FAA];
	_ =	sdelay $0x3  }
0x33: {  	p0 =	seq.s32 s10, $0x1;
	s10 =	sld [smem:$0x3FAC];
	_ =	sdelay $0x3  }
0x34: {  	[smem:$0x3FAC] =	sst s10  }
0x35: {  	s10 =	sld [smem:$0x3FAB];
	_ =	sdelay $0x3  }
0x36: {  	p1 =	seq.s32 s10, $0x1;
	s10 =	sld [smem:$0x3FAC];
	_ =	sdelay $0x3  }
0x37: {  	[smem:$0x3FAC] =	sst s10  }
0x38: {  	s10 =	sld [smem:$0x3FAD]  }
0x39: {  	_ = 	snop;
	(pc) =	sbr.ind lr, $3  }
0x3a: {  	_ = 	snop  }
0x3b: {  	_ = 	snop  }
0x3c: {  	p2 =	seq.s32 s10, $0x1;
	s10 =	sld [smem:$0x3FAC]  }
0x3d: {  	_ =	shalt  }
0x3e: {  	_ =	shalt  }
0x3f: {  	_ =	shalt  }
0x40: {  	_ =	shalt  }
0x41: {  	_ =	shalt  }
0x42: {  	_ =	shalt  }
0x43: {  	_ =	shalt  }
0x44: {  	_ =	shalt  }
0x45: {  	_ =	shalt  }
0x46: {  	_ =	shalt  }
0x47: {  	_ =	shalt  }
0x48: {  	_ =	shalt  }
0x49: {  	_ =	shalt  }
0x4a: {  	_ =	shalt  }
0x4b: {  	_ =	shalt  }
0x4c: {  	_ =	shalt  }
0x4d: {  	_ =	shalt  }
0x4e: {  	_ =	shalt  }
0x4f: {  	_ =	shalt  }
0x50: {  	_ =	shalt  }
0x51: {  	_ =	shalt  }
0x52: {  	_ =	shalt  }
0x53: {  	_ =	shalt  }
0x54: {  	_ =	shalt  }
0x55: {  	_ =	shalt  }
0x56: {  	_ =	shalt  }
0x57: {  	_ =	shalt  }
0x58: {  	_ =	shalt  }
0x59: {  	_ =	shalt  }
0x5a: {  	_ =	shalt  }
0x5b: {  	_ =	shalt  }
0x5c: {  	_ =	shalt  }
0x5d: {  	_ =	shalt  }
0x5e: {  	_ =	shalt  }
0x5f: {  	_ =	shalt  }
0x60: {  	_ =	shalt  }
0x61: {  	_ =	shalt  }
0x62: {  	_ =	shalt  }
0x63: {  	_ =	shalt  }
0x64: {  	_ =	shalt  }
0x65: {  	_ =	shalt  }
0x66: {  	_ =	shalt  }
0x67: {  	_ =	shalt  }
0x68: {  	_ =	shalt  }
0x69: {  	_ =	shalt  }
0x6a: {  	_ =	shalt  }
0x6b: {  	_ =	shalt  }
0x6c: {  	_ =	shalt  }
0x6d: {  	_ =	shalt  }
0x6e: {  	_ =	shalt  }
0x6f: {  	_ =	shalt  }
0x70: {  	_ =	shalt  }
0x71: {  	_ =	shalt  }
0x72: {  	_ =	shalt  }
0x73: {  	_ =	shalt  }
0x74: {  	_ =	shalt  }
0x75: {  	_ =	shalt  }
0x76: {  	_ =	shalt  }
0x77: {  	_ =	shalt  }
0x78: {  	_ =	shalt  }
0x79: {  	_ =	shalt  }
0x7a: {  	_ =	shalt  }
0x7b: {  	_ =	shalt  }
0x7c: {  	_ =	shalt  }
0x7d: {  	_ =	shalt  }
0x7e: {  	_ =	shalt  }
0x7f: {  	_ =	shalt  }
0x80: {  	_ =	shalt  }
0x81: {  	_ =	shalt  }
0x82: {  	_ =	shalt  }
0x83: {  	_ =	shalt  }
0x84: {  	_ =	shalt  }
0x85: {  	_ =	shalt  }
0x86: {  	_ =	shalt  }
0x87: {  	_ =	shalt  }
.Lfunc_end0:
.L_simem_size_0:
called_computation.1_lowered:
.L_overlay_start_0:
0x88: {  	s2 =	sld [smem:$0x3FD9]  }
0x89: {  	s3 =	sld [smem:$0x3FFE];
	_ =	sdelay $0x1  }
0x8a: {  	s1 =	srdreg.scid  }
0x8b: {  	s0 =	sand.u32 $0x1, s1  }
0x8c: {  	s17 =	sshll.u32 s0, $0xA;
	s2 =	sadd.s32 s3, s2  }
0x8d: {  	s2 =	sadd.s32 s2, s17  }
0x8e: {  	[smem:$0x3FB8] =	sst s2  }
0x8f: {  	_ = 	snop  }
0x90: {  	s2 =	sld [smem:$0x3FD0];
	(tm) =	ssettm $0x1  }
0x91: {  	s18 =	sld [smem:$0x3FFB];
	_ =	sdelay $0x3  }
0x92: {  	_ =	strace s18  }
0x93: {  	s3 =	sld [smem:$0x3FFC];
	_ =	sdelay $0x3  }
0x94: {  	_ =	strace s3  }
0x95: {  	s3 =	sld [smem:$0x3FFD];
	_ =	sdelay $0x3  }
0x96: {  	_ =	strace s3  }
0x97: {  	_ =	strace $0x8FFFFFFF  }
0x98: {  	s19 =	sld [smem:$0x3FDB];
	_ =	sdelay $0x1  }
0x99: {  	s4 =	simm.s32 $_scs_section_size  }
0x9a: {  	s5 =	simm.s32 $_size__tile_overlayer_lowered;
	s6 =	simm.s32 $_tile_overlayer_lowered  }
0x9b: {  	s22 =	simm.s32 $0x1BFF;
	s21 =	sshll.u32 s6, $0x1;
	s3 =	sadd.s32 s4, s19  }
0x9c: {  	s7 =	simm.s32 $0x0;
	s20 =	sshll.u32 s5, $0x1;
	s5 =	sadd.s32 s21, s3  }
0x9d: {  	[timem:s7], [sflag:s22] =	dma.local [hbm:s5], s20  }
0x9e: {  	_ =	swait.ge [sflag:s22], s20  }
0x9f: {  	s4 =	ssub.s32 $0x0, s20;
	[sflag:s22] =	ssyncset.done $0x0  }
0xa0: {  	[sflag:s22] =	ssyncadd.s32 s4;
	_ =	sdelay $0x1  }
0xa1: {  	s23 =	simm.s32 $0x1B8B  }
0xa2: {  	_ =	swait.ge [sflag:s23], $0x1  }
0xa3: {  	[sflag:s23] =	ssyncset.done $0x0  }
0xa4: {  	s25 =	simm.s32 $0x1B8E;
	s24 =	sld [smem:$0x3FFE];
	[sflag:s23] =	ssyncadd.s32 $0xFFFFFFFF  }
0xa5: {  	s26 =	simm.s32 $execute0_lowered;
	[smem:$0x3FD2] =	sst s25  }
0xa6: {  	s5 =	sshll.u32 s26, $0x1;
	_ =	strace $0x80000049;
	[dreg:$0x1] =	wrdreg $0xFFFFFFFF  }
0xa7: {  	s28 =	simm.s32 $_size_execute0_lowered;
	s3 =	sadd.s32 s3, s5;
	[dreg:$0x0] =	wrdreg $0x0  }
0xa8: {  	s5 =	sshll.u32 s28, $0x1;
	[dreg:$0x2] =	wrdreg s3  }
0xa9: {  	[dreg:$0x3] =	wrdreg s5  }
0xaa: {  	[dreg:$0x4] =	wrdreg $0xC0  }
0xab: {  	_ =	task [dreg:s7], $0x5FFFF  }
0xac: {  	[dreg:$0x1] =	wrdreg $0xFFFFFFFF  }
0xad: {  	[dreg:$0x0] =	wrdreg $0x60  }
0xae: {  	[dreg:$0x2] =	wrdreg s24  }
0xaf: {  	[dreg:$0x3] =	wrdreg s2  }
0xb0: {  	[dreg:$0x4] =	wrdreg $0xA9800  }
0xb1: {  	[dreg:$0x5] =	wrdreg $0x1E9800  }
0xb2: {  	[dreg:$0x6] =	wrdreg $0x9  }
0xb3: {  	_ =	task.clear_ibuf [dreg:s7], $0x7FFFF;
	_ =	strace $0x90000049  }
0xb4: {  	s29 =	simm.s32 $0x9;
	_ =	strace $0x8000004B  }
0xb5: {  	_ =	swait.ge [sflag:s29], $0x1  }
0xb6: {  	[sflag:s29] =	ssyncadd.s32 $0xFFFFFFFF  }
0xb7: {  	_ =	strace $0x9000004B  }
0xb8: {  	_ =	sfence  }
0xb9: {  	s30 =	sld [smem:$0x0];
	_ =	sdelay $0x2  }
0xba: {  	s31 =	sshll.u32 s1, $0xD;
	s1 =	sshrl.u32 s1, $0x2  }
0xbb: {  	s3 =	sand.u32 $0x4000, s31;
	s1 =	sadd.s32 s1, s30  }
0xbc: {  	s0 =	sor.u32 s3, s0;
	s1 =	sshll.u32 s1, $0x11  }
0xbd: {  	s0 =	sor.u32 s1, s0  }
0xbe: {  	s0 =	sadd.s32 $0x8F2B, s0  }
0xbf: {  	[sflag:s0] =	ssyncadd.remote.s32 $0x1  }
0xc0: {  	_ =	sfence.sel $0xFFFF  }
0xc1: {  	[dreg:$0x0] =	wrdreg $0xFFFFFFFF;
	(pc) =	sbr.abs _section_cstart, $3  }
0xc2: {  	[dreg:$0x1] =	wrdreg $0xFFFFFFFF  }
0xc3: {  	_ =	task.clear_ibuf [dreg:s7], $0x2FFFF;
	_ =	strace $0x9FFFFFFF  }
0xc4: {  	(tm) =	ssettm $0x7FFFFFFF  }
0xc5: {  	_ =	shalt  }
tec
execute0_lowered:
.L_overlay_start_1:
0x0: {  	(tag) =	ssettag $0x1  }
0x1: {  	s0 =	rddreg [dreg:$0x0]  }
0x2: {  	s12 =	rddreg [dreg:$0x2];
	s1 =	srdreg.scid  }
0x3: {  	s13 =	rddreg [dreg:$0x3];
	s11 =	stileid.u32  }
0x4: {  	s22 =	simm.s32 $0x0;
	v0 =	vlaneseq.u32;
	s16 =	simm.s32 $0xA180;
	s17 =	simm.s32 $0x8  }
0x5: {  	v1 =	vimm.f32 $0.0e+00;
	v3 =	vimm.s32 $0xEFCDAB89;
	v5 =	vimm.s32 $0xDCFE98BA;
	s18 =	simm.s32 $0x80;
	s19 =	simm.s32 $0x7900;
	s20 =	simm.s32 $0x4  }
0x6: {  	v8 =	vimm.s32 $0xBA98FEDC;
	v9 =	vimm.s32 $0x32107654;
	v10 =	vimm.s32 $0xFEDCBA98;
	s21 =	simm.s32 $0x5;
	s14 =	simm.s32 $0x1;
	s15 =	simm.s32 $0x2  }
0x7: {  	vm0 =	vmmov $0xffff;
	v11 =	vimm.s32 $0x76543210;
	s1 =	sand.u32 $0x1, s1;
	s3 =	smul.u32 $0x14000, s11;
	s6 =	sadd.s32 $0x518E00, s0;
	v2 =	vand.u32 $0x7, v0  }
0x8: {  	[smem:$0x7FF] =	sst s22;
	s7 =	sadd.s32 $0x58E200, s0;
	s8 =	sadd.s32 $0xD000, s0;
	v4 =	vunpack.c.l.s4.s8 v3;
	v3 =	vimm.s32 $0x67452301;
	v6 =	vshrl.u32 v0, $0x3  }
0x9: {  	s9 =	sadd.s32 $0x3200, s0;
	s25 =	sshll.u32 s11, $0x8;
	s5 =	smul.u32 $0x50000, s11;
	v5 =	vunpack.c.l.s4.s8 v5;
	v8 =	vunpack.c.l.s4.s8 v8;
	v7 =	vunpack.c.l.s4.s8 v3  }
0xa: {  	s29 =	sshll.u32 s11, $0xB;
	v9 =	vunpack.c.l.s4.s8 v9;
	v10 =	vunpack.c.l.s4.s8 v10;
	v11 =	vunpack.c.l.s4.s8 v11;
	s2 =	smul.u32 $0x140000, s1;
	_ =	strace $0x8000004A  }
0xb: {  	s4 =	ssub.s32 $0x2, s1;
	s10 =	sshll.u32 s1, $0x4;
	v3 =	vmul.u32 $0x8, v6;
	s1 =	sshll.u32 s1, $0xC;
	v6 =	vunpack.c.0.s8.s32 v7;
	v7 =	vimm.s32 $0x54761032  }
0xc: {  	v12 =	vor.u32 $0x40, v0;
	v13 =	vor.u32 $0x50, v0;
	s26 =	sshrl.u32 s4, $0x1;
	s28 =	sor.u32 s11, s10;
	s5 =	sshrl.u32 s5, $0x2;
	v7 =	vunpack.c.l.s4.s8 v7  }
0xd: {  	v14 =	vor.u32 $0x60, v0;
	v8 =	vunpack.c.0.s8.s32 v8;
	v9 =	vunpack.c.0.s8.s32 v9;
	s11 =	simm.s32 $0x3;
	s2 =	sadd.s32 s3, s2;
	s3 =	ssub.s32 s4, s26  }
0xe: {  	v4 =	vunpack.c.0.s8.s32 v4;
	v5 =	vunpack.c.0.s8.s32 v5;
	s10 =	sadd.s32 s5, s12;
	s5 =	sadd.s32 s29, s13;
	s12 =	smul.u32 $0x2710, s28;
	v7 =	vunpack.c.0.s8.s32 v7  }
0xf: {  	v15 =	vor.u32 $0x70, v0;
	v10 =	vunpack.c.0.s8.s32 v10;
	s13 =	simm.s32 $0x5100;
	s2 =	sshrl.u32 s2, $0x3;
	s31 =	smax.u32 s3, $0x1;
	v8 =	vcombine.low v9, v8  }
0x10: {  	v9 =	vunpack.c.0.s8.s32 v11;
	[dreg:$0x6] =	wrdreg s5;
	s2 =	sadd.s32 s2, s0;
	s0 =	sadd.s32 s25, s0;
	v6 =	vcombine.low v6, v4;
	v7 =	vcombine.low v7, v5  }
0x11: {  	v10 =	vand.u32 $0xF, v10;
	v11 =	vor.u32 $0x30, v0;
	[dreg:$0x9] =	wrdreg s31;
	v4 =	vor.u32 $0x8, v0;
	s0 =	sadd.s32 s1, s0;
	s30 =	sadd.s32 $0x18E00, s2  }
0x12: {  	s3 =	simm.s32 $0x7;
	[dreg:$0x7] =	wrdreg s30;
	s0 =	sadd.s32 $0x16E00, s0;
	v5 =	vand.u32 $0xF, v6;
	v6 =	vand.u32 $0xF, v7;
	v7 =	vand.u32 $0xF, v8  }
0x13: {  	s2 =	simm.s32 $0x50;
	[dreg:$0x8] =	wrdreg s0;
	s0 =	simm.s32 $0x6;
	v8 =	vcombine.low v10, v9;
	v9 =	vor.u32 $0x10, v0;
	v10 =	vor.u32 $0x20, v0  }
.LBB2_1:
0x14: {  	s1 =	simm.s32 $0x0;
	s4 =	simm.s32 $0x200  }
.LBB2_2:
0x15: {  	p0 =	sne.s32 s4, $0x1E00;
	[tilespmem:s1+$0xA1F0] =	vst v1  }
0x16: {  	[tilespmem:s1+$0xA180] =	vst v1  }
0x17: {  	[tilespmem:s1+$0xA190] =	vst v1  }
.Ltmp0:
0x18: {  	[tilespmem:s1+$0xA1A0] =	vst v1;
	(pc) =	sbr.rel @p0 .LBB2_2-.Ltmp0, $4  }
0x19: {  	[tilespmem:s1+$0xA1B0] =	vst v1  }
0x1a: {  	[tilespmem:s1+$0xA1C0] =	vst v1  }
0x1b: {  	[tilespmem:s1+$0xA1D0] =	vst v1  }
0x1c: {  	[tilespmem:s1+$0xA1E0] =	vst v1;
	s1 =	sshra.s32 s4, $0x2;
	s4 =	sadd.s32 $0x200, s4  }
0x1d: {  	[tilespmem:s1+$0xA1F0] =	vst v1  }
0x1e: {  	[tilespmem:s1+$0xA180] =	vst v1  }
0x1f: {  	[tilespmem:s1+$0xA190] =	vst v1  }
0x20: {  	[tilespmem:s1+$0xA1A0] =	vst v1  }
0x21: {  	[tilespmem:s1+$0xA1B0] =	vst v1  }
0x22: {  	[tilespmem:s1+$0xA1C0] =	vst v1  }
0x23: {  	[tilespmem:s1+$0xA1D0] =	vst v1  }
0x24: {  	[dreg:$0x5] =	wrdreg s22;
	[tilespmem:s1+$0xA1E0] =	vst v1;
	s31 =	sadd.s32 $0x0, s10  }
0x25: {  	[spmem:s31] =	stream.linear.scatter [tilespmem:s16], [sflag:$0x8], $0x800, $0x38;
	[tilespmem:$0x1F180] =	vst v63  }
0x26: {  	s1 =	simm.s32 $0x2000;
	_ =	swait.ge [sflag:s17], $0x800  }
.LBB2_4:
0x27: {  	s4 =	sshra.s32 s1, $0x2;
	[sflag:s17] =	ssyncset.done $0x0;
	p0 =	sne.s32 s1, $0x4E000  }
.Ltmp1:
0x28: {  	s4 =	sadd.s32 s4, s10;
	[sflag:s17] =	ssyncadd.s32 $0xFFFFF800;
	(pc) =	sbr.rel @p0 .LBB2_4-.Ltmp1, $3  }
0x29: {  	[spmem:s4] =	stream.linear.scatter [tilespmem:s16], [sflag:$0x8], $0x800, $0x38;
	[tilespmem:$0x1F180] =	vst v63  }
0x2a: {  	s1 =	sadd.s32 $0x2000, s1;
	_ =	sdelay $0x1  }
0x2b: {  	_ =	swait.ge [sflag:s17], $0x800  }
0x2c: {  	[sflag:s17] =	ssyncset.done $0x0  }
0x2d: {  	[sflag:s17] =	ssyncadd.s32 $0xFFFFF800  }
0x2e: {  	[spmem:s5] =	stream.linear.scatter [tilespmem:s16], [sflag:$0x8], $0x800, $0x38;
	[tilespmem:$0x1F180] =	vst v63  }
0x2f: {  	_ =	swait.ge [sflag:s17], $0x800  }
0x30: {  	[sflag:s17] =	ssyncset.done $0x0  }
0x31: {  	[sflag:s17] =	ssyncadd.s32 $0xFFFFF800  }
0x32: {  	s4 =	simm.s32 $0x0;
	s22 =	simm.s32 $0x0;
	[bflag:$0x0] =	sbarrier.arrive $0xFFFF  }
.LBB2_6:
0x33: {  	s1 =	smul.u32 $0x50, s22;
	_ =	sdelay $0x1  }
0x34: {  	s1 =	sadd.s32 s12, s1  }
0x35: {  	s23 =	sshrl.u32 s1, $0x3  }
0x36: {  	s24 =	sadd.s32 s8, s23  }
0x37: {  	[tilespmem:s4], [sflag:$0x4] =	stream.linear.gather [hbm4b:s24+s4], $0x50, $0x38;
	[tilespmem:$0x1F180] =	vst v63  }
0x38: {  	s1 =	sshll.u32 s1, $0x4;
	s23 =	sadd.s32 s9, s23  }
0x39: {  	[tilespmem:s18], [sflag:$0x5] =	stream.linear.gather [hbm4b:s23+s4], $0x50, $0x38;
	[tilespmem:$0x1F180] =	vst v63  }
0x3a: {  	s1 =	sadd.s32 s7, s1  }
0x3b: {  	[tilespmem:s19], [sflag:$0x3] =	stream.linear.gather [hbm4b:s1+s4], $0x2800, $0x38;
	[tilespmem:$0x1F180] =	vst v63  }
0x3c: {  	_ =	swait.ge [sflag:s20], $0x50  }
0x3d: {  	[sflag:s20] =	ssyncset.done $0x0  }
0x3e: {  	[sflag:s20] =	ssyncadd.s32 $0xFFFFFFB0  }
0x3f: {  	_ =	swait.ge [sflag:s21], $0x50  }
0x40: {  	[sflag:s21] =	ssyncset.done $0x0  }
0x41: {  	[sflag:s21] =	ssyncadd.s32 $0xFFFFFFB0  }
0x42: {  	v16 =	vld [tilespmem:$0x0];
	_ =	sdelay $0x4  }
0x43: {  	v17 =	vshll.u32 v16, $0x1  }
0x44: {  	v16 =	vand.u32 $0x7, v16;
	v17 =	vand.u32 $0xFFFFFFF0, v17  }
0x45: {  	v16 =	vor.u32 v16, v17  }
0x46: {  	v17 =	vperm.xlane v16, v2;
	_ =	sdelay $0x1  }
0x47: {  	v16 =	vperm.xlane v16, v4;
	v17 =	vadd.s32 v3, v17;
	_ =	sdelay $0x1  }
0x48: {  	v16 =	vadd.s32 v3, v16;
	_ =	sdelay $0x1  }
0x49: {  	s5 =	simm.s32 $0x100  }
0x4a: {  	[tilespmem:s5], [sflag:$0x1] =	stream.indirect_vreg.gather [hbm4b:s6+s4], $0x80, v17, vm0, $0xb8;
	[tilespmem:$0x1F180] =	vst v63  }
0x4b: {  	s23 =	simm.s32 $0x900  }
0x4c: {  	[tilespmem:s23], [sflag:$0x1] =	stream.indirect_vreg.gather [hbm4b:s6+s4], $0x80, v16, vm0, $0xb8;
	[tilespmem:$0x1F180] =	vst v63  }
0x4d: {  	v16 =	vld [tilespmem:$0x10];
	_ =	sdelay $0x4  }
0x4e: {  	v17 =	vshll.u32 v16, $0x1  }
0x4f: {  	v16 =	vand.u32 $0x7, v16;
	v17 =	vand.u32 $0xFFFFFFF0, v17  }
0x50: {  	v16 =	vor.u32 v16, v17  }
0x51: {  	v17 =	vperm.xlane v16, v2;
	_ =	sdelay $0x1  }
0x52: {  	v16 =	vperm.xlane v16, v4;
	v17 =	vadd.s32 v3, v17;
	_ =	sdelay $0x1  }
0x53: {  	v16 =	vadd.s32 v3, v16;
	_ =	sdelay $0x1  }
0x54: {  	s24 =	simm.s32 $0x1100  }
0x55: {  	[tilespmem:s24], [sflag:$0x1] =	stream.indirect_vreg.gather [hbm4b:s6+s4], $0x80, v17, vm0, $0xb8;
	[tilespmem:$0x1F180] =	vst v63  }
0x56: {  	s25 =	simm.s32 $0x1900  }
0x57: {  	[tilespmem:s25], [sflag:$0x1] =	stream.indirect_vreg.gather [hbm4b:s6+s4], $0x80, v16, vm0, $0xb8;
	[tilespmem:$0x1F180] =	vst v63  }
0x58: {  	v16 =	vld [tilespmem:$0x20];
	_ =	sdelay $0x4  }
0x59: {  	v17 =	vshll.u32 v16, $0x1  }
0x5a: {  	v16 =	vand.u32 $0x7, v16;
	v17 =	vand.u32 $0xFFFFFFF0, v17  }
0x5b: {  	v16 =	vor.u32 v16, v17  }
0x5c: {  	v17 =	vperm.xlane v16, v2;
	_ =	sdelay $0x1  }
0x5d: {  	v16 =	vperm.xlane v16, v4;
	v17 =	vadd.s32 v3, v17;
	_ =	sdelay $0x1  }
0x5e: {  	v16 =	vadd.s32 v3, v16;
	_ =	sdelay $0x1  }
0x5f: {  	s26 =	simm.s32 $0x2100  }
0x60: {  	[tilespmem:s26], [sflag:$0x1] =	stream.indirect_vreg.gather [hbm4b:s6+s4], $0x80, v17, vm0, $0xb8;
	[tilespmem:$0x1F180] =	vst v63  }
0x61: {  	s31 =	simm.s32 $0x2900  }
0x62: {  	[tilespmem:s31], [sflag:$0x1] =	stream.indirect_vreg.gather [hbm4b:s6+s4], $0x80, v16, vm0, $0xb8;
	[tilespmem:$0x1F180] =	vst v63  }
0x63: {  	v16 =	vld [tilespmem:$0x30];
	_ =	sdelay $0x4  }
0x64: {  	v17 =	vshll.u32 v16, $0x1  }
0x65: {  	v16 =	vand.u32 $0x7, v16;
	v17 =	vand.u32 $0xFFFFFFF0, v17  }
0x66: {  	v16 =	vor.u32 v16, v17  }
0x67: {  	v17 =	vperm.xlane v16, v2;
	_ =	sdelay $0x1  }
0x68: {  	v16 =	vperm.xlane v16, v4;
	v17 =	vadd.s32 v3, v17;
	_ =	sdelay $0x1  }
0x69: {  	v16 =	vadd.s32 v3, v16;
	_ =	sdelay $0x1  }
0x6a: {  	s5 =	simm.s32 $0x3100  }
0x6b: {  	[tilespmem:s5], [sflag:$0x1] =	stream.indirect_vreg.gather [hbm4b:s6+s4], $0x80, v17, vm0, $0xb8;
	[tilespmem:$0x1F180] =	vst v63  }
0x6c: {  	s23 =	simm.s32 $0x3900  }
0x6d: {  	[tilespmem:s23], [sflag:$0x1] =	stream.indirect_vreg.gather [hbm4b:s6+s4], $0x80, v16, vm0, $0xb8;
	[tilespmem:$0x1F180] =	vst v63  }
0x6e: {  	v16 =	vld [tilespmem:$0x40];
	_ =	sdelay $0x4  }
0x6f: {  	v17 =	vshll.u32 v16, $0x1  }
0x70: {  	v16 =	vand.u32 $0x7, v16;
	v17 =	vand.u32 $0xFFFFFFF0, v17  }
0x71: {  	v16 =	vor.u32 v16, v17  }
0x72: {  	v17 =	vperm.xlane v16, v2;
	_ =	sdelay $0x1  }
0x73: {  	v16 =	vperm.xlane v16, v4;
	v17 =	vadd.s32 v3, v17;
	_ =	sdelay $0x1  }
0x74: {  	v16 =	vadd.s32 v3, v16;
	_ =	sdelay $0x1  }
0x75: {  	s24 =	simm.s32 $0x4100  }
0x76: {  	[tilespmem:s24], [sflag:$0x1] =	stream.indirect_vreg.gather [hbm4b:s6+s4], $0x80, v17, vm0, $0xb8;
	[tilespmem:$0x1F180] =	vst v63  }
0x77: {  	s25 =	simm.s32 $0x4900  }
0x78: {  	[tilespmem:s25], [sflag:$0x1] =	stream.indirect_vreg.gather [hbm4b:s6+s4], $0x80, v16, vm0, $0xb8;
	[tilespmem:$0x1F180] =	vst v63  }
0x79: {  	s26 =	rddreg [dreg:$0x1]  }
0x7a: {  	[tilespmem:s13], [sflag:$0x2] =	stream.indirect.gather [hbm4b:s26+s2], $0x80, s18, s2, $0xb8;
	[tilespmem:$0x1F180] =	vst v63  }
0x7b: {  	_ =	swait.ge [sflag:s14], $0x5000  }
0x7c: {  	[sflag:s14] =	ssyncset.done $0x0  }
0x7d: {  	[sflag:s14] =	ssyncadd.s32 $0xFFFFB000  }
0x7e: {  	_ =	swait.ge [sflag:s15], $0x2800  }
0x7f: {  	[sflag:s15] =	ssyncset.done $0x0  }
0x80: {  	[sflag:s15] =	ssyncadd.s32 $0xFFFFD800  }
0x81: {  	_ =	swait.ge [sflag:s11], $0x2800  }
0x82: {  	[sflag:s11] =	ssyncset.done $0x0  }
0x83: {  	[sflag:s11] =	ssyncadd.s32 $0xFFFFD800  }
0x84: {  	v16 =	vld [tilespmem:$0x80]  }
0x85: {  	v17 =	vld [tilespmem:$0x90]  }
0x86: {  	v18 =	vld [tilespmem:$0xA0]  }
0x87: {  	v19 =	vld [tilespmem:$0xB0]  }
0x88: {  	v20 =	vld [tilespmem:$0xC0]  }
0x89: {  	v16 =	vshrl.u32 v16, $0x6  }
0x8a: {  	[tilespmem:$0xA100] =	vst v16;
	v16 =	vshrl.u32 v17, $0x6  }
0x8b: {  	[tilespmem:$0xA110] =	vst v16;
	v16 =	vshrl.u32 v18, $0x6  }
0x8c: {  	[tilespmem:$0xA120] =	vst v16;
	v16 =	vshrl.u32 v19, $0x6  }
0x8d: {  	[tilespmem:$0xA130] =	vst v16;
	v16 =	vshrl.u32 v20, $0x6  }
0x8e: {  	s23 =	simm.s32 $0x5140;
	[tilespmem:$0xA140] =	vst v16  }
0x8f: {  	v16 =	vld [tilespmem:s23+$0xFFFFFFC0]  }
0x90: {  	v17 =	vld [tilespmem:s23+$0xFFFFFFE0]  }
0x91: {  	s31 =	simm.s32 $0x7940;
	s5 =	sand.u32 $0x7800, s4;
	s25 =	sand.u32 $0x380, s4;
	v18 =	vld [tilespmem:s23+$0xFFFFFFD0]  }
0x92: {  	s24 =	sor.u32 s25, s5;
	v19 =	vld [tilespmem:s31+$0xFFFFFFC0]  }
0x93: {  	v20 =	vld [tilespmem:s24+$0x100]  }
0x94: {  	v21 =	vld [tilespmem:s31+$0xFFFFFFD0]  }
0x95: {  	v22 =	vld [tilespmem:s24+$0x110]  }
0x96: {  	v23 =	vld [tilespmem:s31+$0xFFFFFFE0]  }
0x97: {  	v24 =	vld [tilespmem:s24+$0x120]  }
0x98: {  	v25 =	vld [tilespmem:s31+$0xFFFFFFF0];
	v20 =	vadd.f32 v19, v20  }
0x99: {  	v26 =	vld [tilespmem:s24+$0x130]  }
0x9a: {  	v16 =	vmul.f32 v20, v16;
	v20 =	vadd.f32 v21, v22  }
0x9b: {  	v22 =	vld [tilespmem:s23+$0xFFFFFFF0]  }
0x9c: {  	v16 =	vadd.f32 $0.0e+00, v16;
	v18 =	vmul.f32 v20, v18;
	v20 =	vadd.f32 v23, v24;
	_ =	sdelay $0x1  }
0x9d: {  	v16 =	vadd.f32 v18, v16;
	v17 =	vmul.f32 v20, v17;
	v18 =	vadd.f32 v25, v26;
	_ =	sdelay $0x1  }
0x9e: {  	v16 =	vadd.f32 v17, v16;
	v17 =	vmul.f32 v18, v22;
	_ =	sdelay $0x1  }
0x9f: {  	v16 =	vadd.f32 v17, v16;
	_ =	sdelay $0x1  }
0xa0: {  	v17 =	vperm.xlane v16, v5;
	_ =	sdelay $0x1  }
0xa1: {  	v16 =	vadd.f32 v17, v16;
	_ =	sdelay $0x1  }
0xa2: {  	v17 =	vperm.xlane v16, v6;
	_ =	sdelay $0x1  }
0xa3: {  	v16 =	vadd.f32 v17, v16;
	_ =	sdelay $0x1  }
0xa4: {  	v17 =	vperm.xlane v16, v7;
	_ =	sdelay $0x1  }
0xa5: {  	v16 =	vadd.f32 v17, v16;
	_ =	sdelay $0x1  }
0xa6: {  	v17 =	vperm.xlane v16, v8;
	_ =	sdelay $0x1  }
0xa7: {  	v16 =	vadd.f32 v17, v16;
	_ =	sdelay $0x1  }
0xa8: {  	v16 =	vmul.f32 $1.250000000e-01, v16;
	_ =	sdelay $0x1  }
0xa9: {  	v59 =	vld [tilespmem:s24+$0x140];
	v16 =	vmul.f32 $1.442695020e+00, v16  }
0xaa: {  	v60 =	vld [tilespmem:s31+$0x10]  }
0xab: {  	v27 =	vld [tilespmem:s24+$0x150];
	(erf) = vpow2.f32 v16  }
0xac: {  	v28 =	vld [tilespmem:s31+$0x20]  }
0xad: {  	v22 =	vld [tilespmem:s31+$0x0]  }
0xae: {  	v16 =	vld [tilespmem:s24+$0x500]  }
0xaf: {  	v29 =	vld [tilespmem:s24+$0x160]  }
0xb0: {  	v20 =	vld [tilespmem:s23+$0x0]  }
0xb1: {  	v30 =	vld [tilespmem:s31+$0x30]  }
0xb2: {  	v18 =	vld [tilespmem:s23+$0x10]  }
0xb3: {  	v31 =	vld [tilespmem:s24+$0x170];
	v24 =	vadd.f32 v22, v59;
	v19 =	vadd.f32 v16, v19  }
0xb4: {  	v17 =	vld [tilespmem:s23+$0x20];
	v16 =	vpop (erf)  }
0xb5: {  	v61 =	vadd.f32 v60, v27;
	v20 =	vmul.f32 v24, v20;
	v19 =	vmul.f32 v19, v16  }
0xb6: {  	v62 =	vld [tilespmem:s23+$0x30]  }
0xb7: {  	v63 =	vadd.f32 v28, v29;
	v18 =	vmul.f32 v61, v18;
	v20 =	vadd.f32 $0.0e+00, v20;
	[tilespmem:s31+$0xFFFFFFC0] =	vst v19  }
0xb8: {  	v19 =	vld [tilespmem:s24+$0x510]  }
0xb9: {  	v18 =	vadd.f32 v18, v20;
	v20 =	vadd.f32 v30, v31;
	v17 =	vmul.f32 v63, v17;
	_ =	sdelay $0x1  }
0xba: {  	v17 =	vadd.f32 v17, v18;
	v18 =	vmul.f32 v20, v62;
	_ =	sdelay $0x1  }
0xbb: {  	v17 =	vadd.f32 v18, v17;
	v18 =	vadd.f32 v19, v21;
	_ =	sdelay $0x1  }
0xbc: {  	v19 =	vperm.xlane v17, v5;
	v18 =	vmul.f32 v18, v16;
	_ =	sdelay $0x1  }
0xbd: {  	v17 =	vadd.f32 v19, v17;
	[tilespmem:s31+$0xFFFFFFD0] =	vst v18  }
0xbe: {  	v18 =	vld [tilespmem:s24+$0x520]  }
0xbf: {  	v19 =	vperm.xlane v17, v6;
	_ =	sdelay $0x1  }
0xc0: {  	v17 =	vadd.f32 v19, v17;
	_ =	sdelay $0x1  }
0xc1: {  	v19 =	vperm.xlane v17, v7;
	v18 =	vadd.f32 v18, v23;
	_ =	sdelay $0x1  }
0xc2: {  	v17 =	vadd.f32 v19, v17;
	v18 =	vmul.f32 v18, v16;
	_ =	sdelay $0x1  }
0xc3: {  	v19 =	vperm.xlane v17, v8;
	[tilespmem:s31+$0xFFFFFFE0] =	vst v18  }
0xc4: {  	v18 =	vld [tilespmem:s24+$0x530]  }
0xc5: {  	v17 =	vadd.f32 v19, v17;
	_ =	sdelay $0x1  }
0xc6: {  	v17 =	vmul.f32 $1.250000000e-01, v17;
	_ =	sdelay $0x1  }
0xc7: {  	v17 =	vmul.f32 $1.442695020e+00, v17;
	v18 =	vadd.f32 v18, v25;
	_ =	sdelay $0x1  }
0xc8: {  	(erf) = vpow2.f32 v17;
	v18 =	vmul.f32 v18, v16;
	_ =	sdelay $0x1  }
0xc9: {  	[tilespmem:s31+$0xFFFFFFF0] =	vst v18  }
0xca: {  	v17 =	vld [tilespmem:s24+$0x540];
	_ =	sdelay $0x4  }
0xcb: {  	v18 =	vadd.f32 v17, v22  }
0xcc: {  	v17 =	vpop (erf)  }
0xcd: {  	v18 =	vmul.f32 v18, v17;
	_ =	sdelay $0x1  }
0xce: {  	[tilespmem:s31+$0x0] =	vst v18  }
0xcf: {  	v18 =	vld [tilespmem:s24+$0x550];
	_ =	sdelay $0x4  }
0xd0: {  	v18 =	vadd.f32 v18, v60;
	_ =	sdelay $0x1  }
0xd1: {  	v18 =	vmul.f32 v18, v17;
	_ =	sdelay $0x1  }
0xd2: {  	[tilespmem:s31+$0x10] =	vst v18  }
0xd3: {  	v18 =	vld [tilespmem:s24+$0x560];
	_ =	sdelay $0x4  }
0xd4: {  	v18 =	vadd.f32 v18, v28;
	_ =	sdelay $0x1  }
0xd5: {  	v18 =	vmul.f32 v18, v17;
	_ =	sdelay $0x1  }
0xd6: {  	[tilespmem:s31+$0x20] =	vst v18  }
0xd7: {  	v18 =	vld [tilespmem:s24+$0x570];
	_ =	sdelay $0x4  }
0xd8: {  	v18 =	vadd.f32 v18, v30;
	_ =	sdelay $0x1  }
0xd9: {  	v18 =	vmul.f32 v18, v17  }
0xda: {  	s26 =	sand.u32 $0x1C0, s4  }
0xdb: {  	[tilespmem:s31+$0x30] =	vst v18;
	s31 =	sshrl.u32 s26, $0x2  }
0xdc: {  	v18 =	vld [tilespmem:s31+$0x80];
	_ =	sdelay $0x3  }
0xdd: {  	v19 =	vmov s4  }
0xde: {  	v18 =	vperm.xlane v18, v19;
	_ =	sdelay $0x1  }
0xdf: {  	v18 =	vshll.u32 v18, $0x1  }
0xe0: {  	v19 =	vand.u32 $0x7E, v18  }
0xe1: {  	vm6 =	veq.s32 v19, v0;
	v18 =	vor.u32 $0x1, v19;
	vm1 =	veq.s32 v19, v13  }
0xe2: {  	vm2 =	veq.s32 v19, v10;
	vm3 =	veq.s32 v19, v15;
	vm4 =	veq.s32 v18, v11  }
0xe3: {  	s28 =	simm.s32 $0x0;
	s29 =	simm.s32 $0x0;
	s30 =	simm.s32 $0x0;
	vm8 =	veq.s32 v18, v12;
	vm5 =	veq.s32 v18, v0;
	vm7 =	veq.s32 v18, v14  }
0xe4: {  	s25 =	simm.s32 $0x79C0;
	s24 =	simm.s32 $0x1;
	s26 =	simm.s32 $0x51C0;
	v21 =	vnsel vm5, $0x0, v17;
	vm5 =	veq.s32 v19, v11;
	v20 =	vnsel vm8, $0x0, v17  }
.LBB2_7:
0xe5: {  	v21 =	vsel vm6, v16, v21;
	vm6 =	veq.s32 v19, v12;
	v22 =	vnsel vm7, $0x0, v17;
	s28 =	sadd.s32 $0x100, s28;
	s29 =	sadd.s32 $0x80, s29;
	s30 =	sadd.s32 $0x4, s30  }
0xe6: {  	p0 =	sne.s32 s24, $0x4F;
	vm7 =	veq.s32 v19, v9;
	vm8 =	veq.s32 v18, v9;
	vm9 =	veq.s32 v19, v14;
	s31 =	smov.u32 s24;
	s24 =	sadd.s32 $0x1, s24;
	[tilespmem:s23+$0xFFFFFFC0] =	vst v21  }
0xe7: {  	v19 =	vnsel vm4, $0x0, v17;
	vm4 =	veq.s32 v18, v15;
	v20 =	vsel vm6, v16, v20  }
0xe8: {  	vm6 =	veq.s32 v18, v10;
	v19 =	vsel vm5, v16, v19;
	vm5 =	veq.s32 v18, v13  }
0xe9: {  	v18 =	vnsel vm8, $0x0, v17;
	v21 =	vnsel vm6, $0x0, v17;
	[tilespmem:s23+$0x0] =	vst v20;
	v20 =	vnsel vm5, $0x0, v17  }
0xea: {  	v17 =	vnsel vm4, $0x0, v17;
	[tilespmem:s23+$0xFFFFFFF0] =	vst v19;
	v19 =	vsel vm1, v16, v20;
	v20 =	vsel vm9, v16, v22  }
0xeb: {  	v18 =	vsel vm7, v16, v18;
	v21 =	vsel vm2, v16, v21;
	v16 =	vsel vm3, v16, v17;
	[tilespmem:s23+$0x20] =	vst v20  }
0xec: {  	[tilespmem:s23+$0xFFFFFFE0] =	vst v21  }
0xed: {  	[tilespmem:s23+$0x10] =	vst v19  }
0xee: {  	v19 =	vld [tilespmem:s26+$0xFFFFFFC0];
	[tilespmem:s23+$0x30] =	vst v16  }
0xef: {  	v16 =	vld [tilespmem:s26+$0xFFFFFFE0];
	[tilespmem:s23+$0xFFFFFFD0] =	vst v18;
	s23 =	smov.u32 s26  }
0xf0: {  	s1 =	sand.u32 $0x7800, s28;
	s5 =	sand.u32 $0x380, s29;
	v20 =	vld [tilespmem:s26+$0xFFFFFFD0]  }
0xf1: {  	s1 =	sor.u32 s5, s1;
	v21 =	vld [tilespmem:s25+$0xFFFFFFC0]  }
0xf2: {  	v17 =	vld [tilespmem:s1+$0x100]  }
0xf3: {  	v22 =	vld [tilespmem:s25+$0xFFFFFFD0]  }
0xf4: {  	v23 =	vld [tilespmem:s1+$0x110]  }
0xf5: {  	v18 =	vld [tilespmem:s25+$0xFFFFFFE0]  }
0xf6: {  	v24 =	vld [tilespmem:s1+$0x120]  }
0xf7: {  	v25 =	vadd.f32 v21, v17;
	v17 =	vld [tilespmem:s25+$0xFFFFFFF0]  }
0xf8: {  	v26 =	vld [tilespmem:s1+$0x130]  }
0xf9: {  	v19 =	vmul.f32 v25, v19;
	v23 =	vadd.f32 v22, v23  }
0xfa: {  	v25 =	vld [tilespmem:s26+$0xFFFFFFF0]  }
0xfb: {  	v19 =	vadd.f32 $0.0e+00, v19;
	v20 =	vmul.f32 v23, v20;
	v23 =	vadd.f32 v18, v24;
	_ =	sdelay $0x1  }
0xfc: {  	v19 =	vadd.f32 v20, v19;
	v16 =	vmul.f32 v23, v16;
	v20 =	vadd.f32 v17, v26;
	_ =	sdelay $0x1  }
0xfd: {  	v16 =	vadd.f32 v16, v19;
	v19 =	vmul.f32 v20, v25;
	_ =	sdelay $0x1  }
0xfe: {  	v16 =	vadd.f32 v19, v16;
	_ =	sdelay $0x1  }
0xff: {  	v19 =	vperm.xlane v16, v5;
	_ =	sdelay $0x1  }
0x100: {  	v16 =	vadd.f32 v19, v16;
	_ =	sdelay $0x1  }
0x101: {  	v19 =	vperm.xlane v16, v6;
	_ =	sdelay $0x1  }
0x102: {  	v16 =	vadd.f32 v19, v16;
	_ =	sdelay $0x1  }
0x103: {  	v19 =	vperm.xlane v16, v7;
	_ =	sdelay $0x1  }
0x104: {  	v16 =	vadd.f32 v19, v16;
	_ =	sdelay $0x1  }
0x105: {  	v19 =	vperm.xlane v16, v8;
	_ =	sdelay $0x1  }
0x106: {  	v16 =	vadd.f32 v19, v16;
	_ =	sdelay $0x1  }
0x107: {  	v16 =	vmul.f32 $1.250000000e-01, v16;
	_ =	sdelay $0x1  }
0x108: {  	v19 =	vld [tilespmem:s26+$0x20];
	v16 =	vmul.f32 $1.442695020e+00, v16  }
0x109: {  	v20 =	vld [tilespmem:s26+$0x10]  }
0x10a: {  	v23 =	vld [tilespmem:s26+$0x0];
	(erf) = vpow2.f32 v16  }
0x10b: {  	v24 =	vld [tilespmem:s25+$0x0]  }
0x10c: {  	v16 =	vld [tilespmem:s1+$0x500]  }
0x10d: {  	v25 =	vld [tilespmem:s1+$0x140]  }
0x10e: {  	v26 =	vld [tilespmem:s25+$0x10]  }
0x10f: {  	v27 =	vld [tilespmem:s1+$0x150]  }
0x110: {  	v28 =	vld [tilespmem:s25+$0x20]  }
0x111: {  	v29 =	vld [tilespmem:s1+$0x160];
	v21 =	vadd.f32 v16, v21  }
0x112: {  	v25 =	vadd.f32 v24, v25;
	v30 =	vld [tilespmem:s25+$0x30]  }
0x113: {  	v31 =	vld [tilespmem:s1+$0x170];
	v16 =	vpop (erf)  }
0x114: {  	v23 =	vmul.f32 v25, v23;
	v25 =	vadd.f32 v26, v27;
	v21 =	vmul.f32 v21, v16  }
0x115: {  	v27 =	vld [tilespmem:s26+$0x30]  }
0x116: {  	v23 =	vadd.f32 $0.0e+00, v23;
	v20 =	vmul.f32 v25, v20;
	v25 =	vadd.f32 v28, v29;
	[tilespmem:s25+$0xFFFFFFC0] =	vst v21  }
0x117: {  	v21 =	vld [tilespmem:s1+$0x510]  }
0x118: {  	v20 =	vadd.f32 v20, v23;
	v19 =	vmul.f32 v25, v19;
	v23 =	vadd.f32 v30, v31;
	_ =	sdelay $0x1  }
0x119: {  	v19 =	vadd.f32 v19, v20;
	v20 =	vmul.f32 v23, v27;
	_ =	sdelay $0x1  }
0x11a: {  	v19 =	vadd.f32 v20, v19;
	v20 =	vadd.f32 v21, v22;
	_ =	sdelay $0x1  }
0x11b: {  	v21 =	vperm.xlane v19, v5;
	v20 =	vmul.f32 v20, v16;
	_ =	sdelay $0x1  }
0x11c: {  	v19 =	vadd.f32 v21, v19;
	[tilespmem:s25+$0xFFFFFFD0] =	vst v20  }
0x11d: {  	v20 =	vld [tilespmem:s1+$0x520]  }
0x11e: {  	v21 =	vperm.xlane v19, v6;
	_ =	sdelay $0x1  }
0x11f: {  	v19 =	vadd.f32 v21, v19;
	_ =	sdelay $0x1  }
0x120: {  	v21 =	vperm.xlane v19, v7;
	v18 =	vadd.f32 v20, v18;
	_ =	sdelay $0x1  }
0x121: {  	v19 =	vadd.f32 v21, v19;
	v18 =	vmul.f32 v18, v16;
	_ =	sdelay $0x1  }
0x122: {  	v20 =	vperm.xlane v19, v8;
	[tilespmem:s25+$0xFFFFFFE0] =	vst v18  }
0x123: {  	v18 =	vld [tilespmem:s1+$0x530]  }
0x124: {  	v19 =	vadd.f32 v20, v19;
	_ =	sdelay $0x1  }
0x125: {  	v19 =	vmul.f32 $1.250000000e-01, v19;
	_ =	sdelay $0x1  }
0x126: {  	v19 =	vmul.f32 $1.442695020e+00, v19;
	v17 =	vadd.f32 v18, v17;
	_ =	sdelay $0x1  }
0x127: {  	v17 =	vmul.f32 v17, v16;
	(erf) = vpow2.f32 v19;
	_ =	sdelay $0x1  }
0x128: {  	[tilespmem:s25+$0xFFFFFFF0] =	vst v17  }
0x129: {  	v17 =	vld [tilespmem:s1+$0x540];
	_ =	sdelay $0x4  }
0x12a: {  	v18 =	vadd.f32 v17, v24  }
0x12b: {  	v17 =	vpop (erf)  }
0x12c: {  	v18 =	vmul.f32 v18, v17;
	_ =	sdelay $0x1  }
0x12d: {  	[tilespmem:s25+$0x0] =	vst v18  }
0x12e: {  	v18 =	vld [tilespmem:s1+$0x550];
	_ =	sdelay $0x4  }
0x12f: {  	v18 =	vadd.f32 v18, v26;
	_ =	sdelay $0x1  }
0x130: {  	v18 =	vmul.f32 v18, v17;
	_ =	sdelay $0x1  }
0x131: {  	[tilespmem:s25+$0x10] =	vst v18  }
0x132: {  	v18 =	vld [tilespmem:s1+$0x560];
	_ =	sdelay $0x4  }
0x133: {  	v18 =	vadd.f32 v18, v28;
	_ =	sdelay $0x1  }
0x134: {  	v18 =	vmul.f32 v18, v17;
	_ =	sdelay $0x1  }
0x135: {  	[tilespmem:s25+$0x20] =	vst v18  }
0x136: {  	v18 =	vld [tilespmem:s1+$0x570];
	_ =	sdelay $0x4  }
0x137: {  	v18 =	vadd.f32 v18, v30;
	_ =	sdelay $0x1  }
0x138: {  	v18 =	vmul.f32 v18, v17  }
0x139: {  	s1 =	sand.u32 $0x1C0, s30  }
0x13a: {  	s1 =	sshrl.u32 s1, $0x2;
	[tilespmem:s25+$0x30] =	vst v18  }
0x13b: {  	v18 =	vld [tilespmem:s1+$0x80];
	_ =	sdelay $0x3  }
0x13c: {  	v19 =	vmov s31  }
0x13d: {  	v18 =	vperm.xlane v18, v19;
	_ =	sdelay $0x1  }
0x13e: {  	v18 =	vshll.u32 v18, $0x1  }
.Ltmp2:
0x13f: {  	v19 =	vand.u32 $0x7E, v18;
	(pc) =	sbr.rel @p0 .LBB2_7-.Ltmp2, $4  }
0x140: {  	vm6 =	veq.s32 v19, v0;
	v18 =	vor.u32 $0x1, v19;
	vm1 =	veq.s32 v19, v13  }
0x141: {  	vm2 =	veq.s32 v19, v10;
	vm4 =	veq.s32 v18, v11;
	vm8 =	veq.s32 v18, v12  }
0x142: {  	vm3 =	veq.s32 v19, v15;
	vm5 =	veq.s32 v18, v0;
	vm7 =	veq.s32 v18, v14  }
0x143: {  	s26 =	sadd.s32 $0x80, s26;
	s25 =	sadd.s32 $0x80, s25;
	v21 =	vnsel vm5, $0x0, v17;
	vm5 =	veq.s32 v19, v11;
	v20 =	vnsel vm8, $0x0, v17  }
0x144: {  	v21 =	vsel vm6, v16, v21;
	vm11 =	veq.s32 v19, v12  }
0x145: {  	v22 =	vnsel vm7, $0x0, v17;
	v57 =	vnsel vm4, $0x0, v17;
	[tilespmem:s23+$0xFFFFFFC0] =	vst v21;
	v20 =	vsel vm11, v16, v20  }
0x146: {  	vm12 =	veq.s32 v19, v14;
	vm13 =	veq.s32 v18, v10;
	v21 =	vsel vm5, v16, v57;
	[tilespmem:s23+$0x0] =	vst v20  }
0x147: {  	vm14 =	veq.s32 v18, v13;
	v58 =	vnsel vm13, $0x0, v17;
	v59 =	vsel vm12, v16, v22;
	[tilespmem:s23+$0xFFFFFFF0] =	vst v21  }
0x148: {  	vm15 =	veq.s32 v18, v15;
	v60 =	vnsel vm14, $0x0, v17;
	v20 =	vsel vm2, v16, v58;
	[tilespmem:s23+$0x20] =	vst v59  }
0x149: {  	v62 =	vnsel vm15, $0x0, v17;
	vm2 =	veq.s32 v18, v9;
	v61 =	vsel vm1, v16, v60;
	[tilespmem:s23+$0xFFFFFFE0] =	vst v20  }
0x14a: {  	vm1 =	veq.s32 v19, v9;
	v63 =	vsel vm3, v16, v62;
	v17 =	vnsel vm2, $0x0, v17;
	[tilespmem:s23+$0x10] =	vst v61  }
0x14b: {  	[tilespmem:s23+$0x30] =	vst v63;
	v16 =	vsel vm1, v16, v17  }
0x14c: {  	s1 =	rddreg [dreg:$0x2];
	[tilespmem:s23+$0xFFFFFFD0] =	vst v16  }
0x14d: {  	[spmem:s1] =	stream.indirect.scatter.add.f32 [tilespmem:s19], [sflag:$0x6], $0x80, s18, s2, $0xb8;
	[tilespmem:$0x1F180] =	vst v63  }
0x14e: {  	s31 =	rddreg [dreg:$0x3];
	s5 =	simm.s32 $0xA100;
	s22 =	sadd.s32 $0x1, s22  }
0x14f: {  	[spmem:s31] =	stream.indirect.scatter.add.f32 [tilespmem:s13], [sflag:$0x7], $0x80, s5, s2, $0xb8;
	[tilespmem:$0x1F180] =	vst v63  }
0x150: {  	p0 =	sne.s32 s22, $0x7D;
	_ =	swait.ge [sflag:s0], $0x2800  }
.Ltmp3:
0x151: {  	[sflag:s0] =	ssyncset.done $0x0;
	(pc) =	sbr.rel @p0 .LBB2_6-.Ltmp3, $4  }
0x152: {  	[sflag:s0] =	ssyncadd.s32 $0xFFFFD800  }
0x153: {  	_ =	swait.ge [sflag:s3], $0x2800  }
0x154: {  	[sflag:s3] =	ssyncset.done $0x0  }
0x155: {  	[sflag:s3] =	ssyncadd.s32 $0xFFFFD800  }
0x156: {  	s1 =	stileid.u32  }
0x157: {  	[bflag:$0x0] =	sbarrier.arrive $0xFFFF;
	s1 =	sshll.u32 s1, $0x6  }
0x158: {  	s4 =	sshrl.u32 s10, $0x3;
	s5 =	rddreg [dreg:$0x7];
	s1 =	sor.u32 $0x1C08, s1  }
0x159: {  	[hbm:s5], [sflag:s1] =	dma.local [spmem:s4], $0x2800  }
0x15a: {  	_ =	swait.ge [sflag:s17], $0x2800  }
0x15b: {  	[sflag:s17] =	ssyncset.done $0x0;
	s5 =	rddreg [dreg:$0x6]  }
0x15c: {  	s22 =	rddreg [dreg:$0x8];
	[sflag:s17] =	ssyncadd.s32 $0xFFFFD800;
	s29 =	sshrl.u32 s5, $0x3  }
0x15d: {  	[hbm:s22], [sflag:s1] =	dma.local [spmem:s29], $0x100  }
0x15e: {  	_ =	swait.ge [sflag:s17], $0x100  }
0x15f: {  	s30 =	rddreg [dreg:$0x5]  }
0x160: {  	s31 =	rddreg [dreg:$0x9];
	s22 =	sadd.s32 $0x1, s30  }
0x161: {  	p0 =	sne.s32 s22, s31  }
.Ltmp4:
0x162: {  	_ = 	snop;
	(pc) =	sbr.rel @p0 .LBB2_1-.Ltmp4, $3  }
0x163: {  	_ =	sdelay $0x1  }
0x164: {  	[sflag:s17] =	ssyncset.done $0x0  }
0x165: {  	[sflag:s17] =	ssyncadd.s32 $0xFFFFFF00  }
0x166: {  	_ =	sfence.sel $0x180000  }
0x167: {  	[bflag:$0x0] =	sbarrier.arrive $0xFFFF  }
0x168: {  	_ =	strace $0x9000004A  }
0x169: {  	s0 =	stileid.u32;
	[bflag:$0x2] =	sbarrier.arrive $0xFFFF  }
0x16a: {  	p0 =	sne.s32 s0, $0x0;
	s0 =	rddreg [dreg:$0x4]  }
0x16b: {  	s0 =	sadd.s32 @!p0 $0x100000, s0  }
0x16c: {  	[sflag:s0] =	ssyncadd.tile.s32 @!p0 $0x1;
	_ =	shalt  }
.Lfunc_end2:
_tile_overlayer_lowered:
.L_overlay_start_2:
0x16d: {  	(tag) =	ssettag $0x2  }
0x16e: {  	s0 =	rddreg [dreg:$0x0];
	s2 =	stileid.u32  }
0x16f: {  	s1 =	rddreg [dreg:$0x1];
	p0 =	sne.s32 s2, $0x0  }
0x170: {  	s3 =	rddreg [dreg:$0x2];
	[bflag:$0x3] =	sbarrier.arrive $0xFFFF;
	s2 =	simm.s32 @!p0 $0x1C08  }
0x171: {  	[timem:s3], [sflag:s2] =	dma.local @!p0 [hbm:s0], s1  }
0x172: {  	s0 =	simm.s32 @!p0 $0x8  }
0x173: {  	_ =	swait.ge @!p0 [sflag:s0], s1  }
0x174: {  	s1 =	ssub.s32 @!p0 $0x0, s1;
	[sflag:s0] =	ssyncset.done @!p0 $0x0  }
0x175: {  	[sflag:s0] =	ssyncadd.s32 @!p0 s1  }
0x176: {  	[bflag:$0x3] =	sbarrier.arrive $0xFFFF  }
0x177: {  	_ =	shalt  }

// kernel: kernel.7.cloned.1.call-start
scs
__scs_entry_jumppad:
0x0: {  	(pc) =	sbr.rel $0x88, $3  }
0x1: {  	(tag) =	ssettag $0x0;
	lr =	simm.s32 $0x1  }
0x2: {  	[smem:$0x3F91] =	sst lr;
	_ =	strace $0xD0000000  }
0x3: {  	_ = 	snop  }
0x4: {  	_ = 	snop  }
0x5: {  	_ = 	snop  }
0x6: {  	_ = 	snop  }
0x7: {  	_ = 	snop  }
__scs_overlays_trampoline_lowered:
0x8: {  	[smem:$0x3FA0] =	sst s0  }
0x9: {  	[smem:$0x3FA1] =	sst s1  }
0xa: {  	[smem:$0x3FA2] =	sst s2  }
0xb: {  	[smem:$0x3FA3] =	sst s3  }
0xc: {  	[smem:$0x3FA4] =	sst s4  }
0xd: {  	[smem:$0x3FA5] =	sst s5  }
0xe: {  	[smem:$0x3FA6] =	sst s6  }
0xf: {  	[smem:$0x3FA7] =	sst s7  }
0x10: {  	[smem:$0x3FA8] =	sst s8  }
0x11: {  	[smem:$0x3FA9] =	sst s9;
	s0 =	simm.s32 @!p0 $0x0  }
0x12: {  	s1 =	sld [smem:$0x3F8F];
	s0 =	simm.s32 @p0 $0x1  }
0x13: {  	[smem:$0x3FAA] =	sst s0;
	s0 =	simm.s32 @!p1 $0x0  }
0x14: {  	s2 =	sld [smem:$0x3F8E];
	s0 =	simm.s32 @p1 $0x1  }
0x15: {  	[smem:$0x3FAB] =	sst s0;
	s0 =	simm.s32 @!p2 $0x0  }
0x16: {  	s3 =	sld [smem:$0x3FDB];
	s0 =	simm.s32 @p2 $0x1  }
0x17: {  	s4 =	simm.s32 $0x1BF5;
	[smem:$0x3FAD] =	sst s0  }
0x18: {  	s0 =	sld [smem:$0x3F90];
	_ =	swait.ge [sflag:s4], $0x0  }
0x19: {  	s7 =	sld [smem:$0x3F91]  }
0x1a: {  	s8 =	sadd.s32 $0xFFFFE003, lr  }
0x1b: {  	s9 =	sadd.s32 $0xFFFFFEF7, lr;
	s5 =	simm.s32 $0xFFFFFFFF;
	p2 =	slt.u32 s8, $0xFFFFF086  }
0x1c: {  	p1 =	slt.u32 s9, $0xF7A;
	s5 =	simm.s32 @!p2 $0x0  }
0x1d: {  	s5 =	simm.s32 @p1 $0x1;
	p0 =	seq.s32 s7, s2  }
0x1e: {  	s7 =	smul.u32 @!p0 $0xF7A, s2;
	p2 =	seq.s32 @!p0 s5, $0x0  }
0x1f: {  	s9 =	smul.u32 $0xF7A, s1;
	s8 =	simm.s32 @!p0 $0x1BF5;
	p2 =	por !p2, p0  }
0x20: {  	[sflag:s8] =	ssyncset.s32 @!p0 $0xFFFFF086;
	s6 =	sadd.s32 @!p0 s3, s7;
	s7 =	simm.s32 @!p0 $0x108  }
0x21: {  	s3 =	sadd.s32 s3, s9;
	s6 =	sadd.s32 @!p0 $0x88, s6;
	s7 =	simm.s32 @p2 $0x1082  }
0x22: {  	[simem:s7], [sflag:s8] =	dma.local @!p0 [hbm:s6], $0xF7A  }
0x23: {  	s9 =	sor.u32 $0xD0000000, s2;
	s6 =	simm.s32 $0x108;
	_ =	swait.ge @!p0 [sflag:s8], $0x0  }
0x24: {  	s3 =	sadd.s32 $0x88, s3;
	s6 =	simm.s32 @!p1 $0x1082;
	[sflag:s4] =	ssyncset.s32 $0xFFFFF086  }
0x25: {  	[simem:s6], [sflag:s4] =	dma.local [hbm:s3], $0xF7A  }
0x26: {  	[smem:$0x3F91] =	sst s1;
	(tag) =	ssettag s2;
	_ =	strace s9  }
0x27: {  	s1 =	sld [smem:$0x3FA1]  }
0x28: {  	s2 =	sld [smem:$0x3FA2]  }
0x29: {  	s4 =	sld [smem:$0x3FA4]  }
0x2a: {  	p0 =	seq.s32 s5, $0x0;
	s5 =	sld [smem:$0x3FA5]  }
0x2b: {  	s6 =	sld [smem:$0x3FA6]  }
0x2c: {  	s7 =	sld [smem:$0x3FA7]  }
0x2d: {  	s3 =	simm.s32 $0x108;
	s8 =	sld [smem:$0x3FA8]  }
0x2e: {  	s3 =	simm.s32 @!p0 $0x1082;
	s9 =	sld [smem:$0x3FA9]  }
0x2f: {  	lr =	sadd.s32 s0, s3;
	s0 =	sld [smem:$0x3FA0]  }
0x30: {  	s3 =	sld [smem:$0x3FA3]  }
0x31: {  	[smem:$0x3FAC] =	sst s10  }
0x32: {  	s10 =	sld [smem:$0x3FAA];
	_ =	sdelay $0x3  }
0x33: {  	p0 =	seq.s32 s10, $0x1;
	s10 =	sld [smem:$0x3FAC];
	_ =	sdelay $0x3  }
0x34: {  	[smem:$0x3FAC] =	sst s10  }
0x35: {  	s10 =	sld [smem:$0x3FAB];
	_ =	sdelay $0x3  }
0x36: {  	p1 =	seq.s32 s10, $0x1;
	s10 =	sld [smem:$0x3FAC];
	_ =	sdelay $0x3  }
0x37: {  	[smem:$0x3FAC] =	sst s10  }
0x38: {  	s10 =	sld [smem:$0x3FAD]  }
0x39: {  	_ = 	snop;
	(pc) =	sbr.ind lr, $3  }
0x3a: {  	_ = 	snop  }
0x3b: {  	_ = 	snop  }
0x3c: {  	p2 =	seq.s32 s10, $0x1;
	s10 =	sld [smem:$0x3FAC]  }
0x3d: {  	_ =	shalt  }
0x3e: {  	_ =	shalt  }
0x3f: {  	_ =	shalt  }
0x40: {  	_ =	shalt  }
0x41: {  	_ =	shalt  }
0x42: {  	_ =	shalt  }
0x43: {  	_ =	shalt  }
0x44: {  	_ =	shalt  }
0x45: {  	_ =	shalt  }
0x46: {  	_ =	shalt  }
0x47: {  	_ =	shalt  }
0x48: {  	_ =	shalt  }
0x49: {  	_ =	shalt  }
0x4a: {  	_ =	shalt  }
0x4b: {  	_ =	shalt  }
0x4c: {  	_ =	shalt  }
0x4d: {  	_ =	shalt  }
0x4e: {  	_ =	shalt  }
0x4f: {  	_ =	shalt  }
0x50: {  	_ =	shalt  }
0x51: {  	_ =	shalt  }
0x52: {  	_ =	shalt  }
0x53: {  	_ =	shalt  }
0x54: {  	_ =	shalt  }
0x55: {  	_ =	shalt  }
0x56: {  	_ =	shalt  }
0x57: {  	_ =	shalt  }
0x58: {  	_ =	shalt  }
0x59: {  	_ =	shalt  }
0x5a: {  	_ =	shalt  }
0x5b: {  	_ =	shalt  }
0x5c: {  	_ =	shalt  }
0x5d: {  	_ =	shalt  }
0x5e: {  	_ =	shalt  }
0x5f: {  	_ =	shalt  }
0x60: {  	_ =	shalt  }
0x61: {  	_ =	shalt  }
0x62: {  	_ =	shalt  }
0x63: {  	_ =	shalt  }
0x64: {  	_ =	shalt  }
0x65: {  	_ =	shalt  }
0x66: {  	_ =	shalt  }
0x67: {  	_ =	shalt  }
0x68: {  	_ =	shalt  }
0x69: {  	_ =	shalt  }
0x6a: {  	_ =	shalt  }
0x6b: {  	_ =	shalt  }
0x6c: {  	_ =	shalt  }
0x6d: {  	_ =	shalt  }
0x6e: {  	_ =	shalt  }
0x6f: {  	_ =	shalt  }
0x70: {  	_ =	shalt  }
0x71: {  	_ =	shalt  }
0x72: {  	_ =	shalt  }
0x73: {  	_ =	shalt  }
0x74: {  	_ =	shalt  }
0x75: {  	_ =	shalt  }
0x76: {  	_ =	shalt  }
0x77: {  	_ =	shalt  }
0x78: {  	_ =	shalt  }
0x79: {  	_ =	shalt  }
0x7a: {  	_ =	shalt  }
0x7b: {  	_ =	shalt  }
0x7c: {  	_ =	shalt  }
0x7d: {  	_ =	shalt  }
0x7e: {  	_ =	shalt  }
0x7f: {  	_ =	shalt  }
0x80: {  	_ =	shalt  }
0x81: {  	_ =	shalt  }
0x82: {  	_ =	shalt  }
0x83: {  	_ =	shalt  }
0x84: {  	_ =	shalt  }
0x85: {  	_ =	shalt  }
0x86: {  	_ =	shalt  }
0x87: {  	_ =	shalt  }
.Lfunc_end0:
.L_simem_size_0:
called_computation_lowered:
.L_overlay_start_0:
0x88: {  	s2 =	sld [smem:$0x3FD9]  }
0x89: {  	s3 =	sld [smem:$0x3FFE];
	_ =	sdelay $0x1  }
0x8a: {  	s1 =	srdreg.scid  }
0x8b: {  	s0 =	sand.u32 $0x1, s1  }
0x8c: {  	s17 =	sshll.u32 s0, $0xA;
	s2 =	sadd.s32 s3, s2  }
0x8d: {  	s2 =	sadd.s32 s2, s17  }
0x8e: {  	[smem:$0x3FB8] =	sst s2  }
0x8f: {  	_ = 	snop  }
0x90: {  	s2 =	sld [smem:$0x3FC8];
	(tm) =	ssettm $0x1  }
0x91: {  	s18 =	sld [smem:$0x3FFB];
	_ =	sdelay $0x3  }
0x92: {  	_ =	strace s18  }
0x93: {  	s3 =	sld [smem:$0x3FFC];
	_ =	sdelay $0x3  }
0x94: {  	_ =	strace s3  }
0x95: {  	s3 =	sld [smem:$0x3FFD];
	_ =	sdelay $0x3  }
0x96: {  	_ =	strace s3  }
0x97: {  	_ =	strace $0x8FFFFFFF  }
0x98: {  	s19 =	sld [smem:$0x3FDB];
	_ =	sdelay $0x1  }
0x99: {  	s4 =	simm.s32 $_scs_section_size  }
0x9a: {  	s5 =	simm.s32 $_size__tile_overlayer_lowered;
	s6 =	simm.s32 $_tile_overlayer_lowered  }
0x9b: {  	s22 =	simm.s32 $0x1BFF;
	s21 =	sshll.u32 s6, $0x1;
	s3 =	sadd.s32 s4, s19  }
0x9c: {  	s7 =	simm.s32 $0x0;
	s20 =	sshll.u32 s5, $0x1;
	s5 =	sadd.s32 s21, s3  }
0x9d: {  	[timem:s7], [sflag:s22] =	dma.local [hbm:s5], s20  }
0x9e: {  	_ =	swait.ge [sflag:s22], s20  }
0x9f: {  	s4 =	ssub.s32 $0x0, s20;
	[sflag:s22] =	ssyncset.done $0x0  }
0xa0: {  	[sflag:s22] =	ssyncadd.s32 s4;
	_ =	sdelay $0x1  }
0xa1: {  	s23 =	simm.s32 $0x1B8B  }
0xa2: {  	_ =	swait.ge [sflag:s23], $0x1  }
0xa3: {  	[sflag:s23] =	ssyncset.done $0x0  }
0xa4: {  	s25 =	simm.s32 $0x1B8E;
	s24 =	sld [smem:$0x3FFE];
	[sflag:s23] =	ssyncadd.s32 $0xFFFFFFFF  }
0xa5: {  	s26 =	simm.s32 $execute0_lowered;
	[smem:$0x3FD2] =	sst s25  }
0xa6: {  	s5 =	sshll.u32 s26, $0x1;
	_ =	strace $0x80000046;
	[dreg:$0x1] =	wrdreg $0xFFFFFFFF  }
0xa7: {  	s28 =	simm.s32 $_size_execute0_lowered;
	s3 =	sadd.s32 s3, s5;
	[dreg:$0x0] =	wrdreg $0x0  }
0xa8: {  	s5 =	sshll.u32 s28, $0x1;
	[dreg:$0x2] =	wrdreg s3  }
0xa9: {  	[dreg:$0x3] =	wrdreg s5  }
0xaa: {  	[dreg:$0x4] =	wrdreg $0xC0  }
0xab: {  	_ =	task [dreg:s7], $0x5FFFF  }
0xac: {  	[dreg:$0x1] =	wrdreg $0xFFFFFFFF  }
0xad: {  	[dreg:$0x0] =	wrdreg $0x60  }
0xae: {  	[dreg:$0x2] =	wrdreg s2  }
0xaf: {  	[dreg:$0x3] =	wrdreg s24  }
0xb0: {  	[dreg:$0x4] =	wrdreg $0x9  }
0xb1: {  	_ =	task.clear_ibuf [dreg:s7], $0x5FFFF;
	_ =	strace $0x90000046  }
0xb2: {  	s29 =	simm.s32 $0x9;
	_ =	strace $0x80000048  }
0xb3: {  	_ =	swait.ge [sflag:s29], $0x1  }
0xb4: {  	[sflag:s29] =	ssyncadd.s32 $0xFFFFFFFF  }
0xb5: {  	_ =	strace $0x90000048  }
0xb6: {  	_ =	sfence  }
0xb7: {  	s30 =	sld [smem:$0x0];
	_ =	sdelay $0x2  }
0xb8: {  	s31 =	sshll.u32 s1, $0xD;
	s1 =	sshrl.u32 s1, $0x2  }
0xb9: {  	s3 =	sand.u32 $0x4000, s31;
	s1 =	sadd.s32 s1, s30  }
0xba: {  	s0 =	sor.u32 s3, s0;
	s1 =	sshll.u32 s1, $0x11  }
0xbb: {  	s0 =	sor.u32 s1, s0  }
0xbc: {  	s0 =	sadd.s32 $0x8F2B, s0  }
0xbd: {  	[sflag:s0] =	ssyncadd.remote.s32 $0x1  }
0xbe: {  	_ =	sfence.sel $0xFFFF  }
0xbf: {  	[dreg:$0x0] =	wrdreg $0xFFFFFFFF;
	(pc) =	sbr.abs _section_cstart, $3  }
0xc0: {  	[dreg:$0x1] =	wrdreg $0xFFFFFFFF  }
0xc1: {  	_ =	task.clear_ibuf [dreg:s7], $0x2FFFF;
	_ =	strace $0x9FFFFFFF  }
0xc2: {  	(tm) =	ssettm $0x7FFFFFFF  }
0xc3: {  	_ =	shalt  }
tec
execute0_lowered:
.L_overlay_start_1:
0x0: {  	(tag) =	ssettag $0x1  }
0x1: {  	s2 =	rddreg [dreg:$0x0]  }
0x2: {  	s4 =	rddreg [dreg:$0x1];
	s3 =	srdreg.scid  }
0x3: {  	s0 =	rddreg [dreg:$0x2];
	s1 =	stileid.u32;
	s8 =	simm.s32 $0x50  }
0x4: {  	s9 =	simm.s32 $0x1;
	s10 =	simm.s32 $0x4000;
	s11 =	simm.s32 $0x0  }
0x5: {  	s5 =	sand.u32 $0x1, s3;
	s3 =	simm.s32 $0x0;
	s7 =	sshll.u32 s1, $0xB  }
0x6: {  	s6 =	sshll.u32 s5, $0xF;
	[smem:$0x7FF] =	sst s3;
	s5 =	ssub.s32 $0x2, s5  }
0x7: {  	s6 =	sor.u32 s7, s6;
	_ =	strace $0x80000047;
	s30 =	sshrl.u32 s5, $0x1  }
0x8: {  	s7 =	simm.s32 $0x2;
	s6 =	sadd.s32 s6, s4;
	s31 =	ssub.s32 s5, s30  }
0x9: {  	s4 =	sadd.s32 $0x16E00, s6;
	s5 =	sadd.s32 $0x26E00, s6;
	s6 =	smax.u32 s31, $0x1  }
.LBB2_1:
0xa: {  	[tilespmem:s3], [sflag:$0x2] =	stream.linear.gather [hbm4b:s4+s3], $0x3E80, $0x38;
	[tilespmem:$0x8000] =	vst v63  }
0xb: {  	_ =	swait.ge [sflag:s7], $0x3E80  }
0xc: {  	[sflag:s7] =	ssyncset.done $0x0  }
0xd: {  	s12 =	simm.s32 $0x0;
	s13 =	simm.s32 $0x4000;
	[sflag:s7] =	ssyncadd.s32 $0xFFFFC180  }
0xe: {  	[tilespmem:s13], [sflag:$0x1] =	stream.indirect.gather [hbm4b:s2+s8], $0x1, s12, s8, $0xb8;
	[tilespmem:$0x8000] =	vst v63  }
0xf: {  	s23 =	simm.s32 $0x4080;
	s24 =	simm.s32 $0x80  }
0x10: {  	[tilespmem:s23], [sflag:$0x1] =	stream.indirect.gather [hbm4b:s2+s8], $0x1, s24, s8, $0xb8;
	[tilespmem:$0x8000] =	vst v63  }
0x11: {  	s25 =	simm.s32 $0x4100;
	s26 =	simm.s32 $0x100  }
0x12: {  	[tilespmem:s25], [sflag:$0x1] =	stream.indirect.gather [hbm4b:s2+s8], $0x1, s26, s8, $0xb8;
	[tilespmem:$0x8000] =	vst v63  }
0x13: {  	s28 =	simm.s32 $0x4180;
	s29 =	simm.s32 $0x180  }
0x14: {  	[tilespmem:s28], [sflag:$0x1] =	stream.indirect.gather [hbm4b:s2+s8], $0x1, s29, s8, $0xb8;
	[tilespmem:$0x8000] =	vst v63  }
0x15: {  	s30 =	simm.s32 $0x4200;
	s31 =	simm.s32 $0x200  }
0x16: {  	[tilespmem:s30], [sflag:$0x1] =	stream.indirect.gather [hbm4b:s2+s8], $0x1, s31, s8, $0xb8;
	[tilespmem:$0x8000] =	vst v63  }
0x17: {  	_ =	swait.ge [sflag:s9], $0x50  }
0x18: {  	[sflag:s9] =	ssyncset.done $0x0  }
0x19: {  	[sflag:s9] =	ssyncadd.s32 $0xFFFFFFB0  }
0x1a: {  	_ =	swait.ge [sflag:s9], $0x50  }
0x1b: {  	[sflag:s9] =	ssyncset.done $0x0  }
0x1c: {  	[sflag:s9] =	ssyncadd.s32 $0xFFFFFFB0  }
0x1d: {  	_ =	swait.ge [sflag:s9], $0x50  }
0x1e: {  	[sflag:s9] =	ssyncset.done $0x0  }
0x1f: {  	[sflag:s9] =	ssyncadd.s32 $0xFFFFFFB0  }
0x20: {  	_ =	swait.ge [sflag:s9], $0x50  }
0x21: {  	[sflag:s9] =	ssyncset.done $0x0  }
0x22: {  	[sflag:s9] =	ssyncadd.s32 $0xFFFFFFB0  }
0x23: {  	_ =	swait.ge [sflag:s9], $0x50  }
0x24: {  	s13 =	simm.s32 $0x1400;
	s12 =	simm.s32 $0x280;
	[sflag:s9] =	ssyncset.done $0x0  }
.LBB2_2:
0x25: {  	s14 =	sadd.s32 $0x4000, s12  }
0x26: {  	[sflag:s9] =	ssyncadd.s32 $0xFFFFFFB0;
	s15 =	smov.u32 s13;
	s16 =	sadd.s32 $0xA00, s13  }
0x27: {  	[tilespmem:s14], [sflag:$0x1] =	stream.indirect.gather [hbm4b:s2+s8], $0x1, s12, s8, $0xb8;
	[tilespmem:$0x8000] =	vst v63  }
0x28: {  	p0 =	sne.s32 s13, $0xF000;
	s13 =	sadd.s32 $0x4080, s12;
	s14 =	sadd.s32 $0x80, s12  }
0x29: {  	[tilespmem:s13], [sflag:$0x1] =	stream.indirect.gather [hbm4b:s2+s8], $0x1, s14, s8, $0xb8;
	[tilespmem:$0x8000] =	vst v63  }
0x2a: {  	s13 =	sadd.s32 $0x4100, s12;
	s14 =	sadd.s32 $0x100, s12  }
0x2b: {  	[tilespmem:s13], [sflag:$0x1] =	stream.indirect.gather [hbm4b:s2+s8], $0x1, s14, s8, $0xb8;
	[tilespmem:$0x8000] =	vst v63  }
0x2c: {  	s13 =	sadd.s32 $0x4180, s12;
	s14 =	sadd.s32 $0x180, s12  }
0x2d: {  	[tilespmem:s13], [sflag:$0x1] =	stream.indirect.gather [hbm4b:s2+s8], $0x1, s14, s8, $0xb8;
	[tilespmem:$0x8000] =	vst v63  }
0x2e: {  	s13 =	sadd.s32 $0x4200, s12;
	s12 =	sadd.s32 $0x200, s12  }
0x2f: {  	[tilespmem:s13], [sflag:$0x1] =	stream.indirect.gather [hbm4b:s2+s8], $0x1, s12, s8, $0xb8;
	[tilespmem:$0x8000] =	vst v63  }
0x30: {  	_ =	swait.ge [sflag:s9], $0x50  }
0x31: {  	[sflag:s9] =	ssyncset.done $0x0  }
0x32: {  	[sflag:s9] =	ssyncadd.s32 $0xFFFFFFB0  }
0x33: {  	_ =	swait.ge [sflag:s9], $0x50  }
0x34: {  	[sflag:s9] =	ssyncset.done $0x0  }
0x35: {  	[sflag:s9] =	ssyncadd.s32 $0xFFFFFFB0  }
0x36: {  	_ =	swait.ge [sflag:s9], $0x50  }
0x37: {  	[sflag:s9] =	ssyncset.done $0x0  }
0x38: {  	[sflag:s9] =	ssyncadd.s32 $0xFFFFFFB0  }
.Ltmp0:
0x39: {  	_ =	swait.ge [sflag:s9], $0x50;
	(pc) =	sbr.rel @p0 .LBB2_2-.Ltmp0, $4  }
0x3a: {  	[sflag:s9] =	ssyncset.done $0x0  }
0x3b: {  	[sflag:s9] =	ssyncadd.s32 $0xFFFFFFB0  }
0x3c: {  	_ =	swait.ge [sflag:s9], $0x50  }
0x3d: {  	s12 =	sshra.s32 s15, $0x2;
	s13 =	smov.u32 s16;
	[sflag:s9] =	ssyncset.done $0x0  }
0x3e: {  	s13 =	sadd.s32 $0x4000, s12;
	[sflag:s9] =	ssyncadd.s32 $0xFFFFFFB0  }
0x3f: {  	[tilespmem:s13], [sflag:$0x1] =	stream.indirect.gather [hbm4b:s2+s8], $0x1, s12, s8, $0xb8;
	[tilespmem:$0x8000] =	vst v63  }
0x40: {  	s24 =	sadd.s32 $0x4080, s12;
	s14 =	sadd.s32 $0x80, s12  }
0x41: {  	[tilespmem:s24], [sflag:$0x1] =	stream.indirect.gather [hbm4b:s2+s8], $0x1, s14, s8, $0xb8;
	[tilespmem:$0x8000] =	vst v63  }
0x42: {  	s25 =	sadd.s32 $0x4100, s12;
	s26 =	sadd.s32 $0x100, s12  }
0x43: {  	[tilespmem:s25], [sflag:$0x1] =	stream.indirect.gather [hbm4b:s2+s8], $0x1, s26, s8, $0xb8;
	[tilespmem:$0x8000] =	vst v63  }
0x44: {  	s28 =	sadd.s32 $0x4180, s12;
	s29 =	sadd.s32 $0x180, s12  }
0x45: {  	[tilespmem:s28], [sflag:$0x1] =	stream.indirect.gather [hbm4b:s2+s8], $0x1, s29, s8, $0xb8;
	[tilespmem:$0x8000] =	vst v63  }
0x46: {  	s30 =	sadd.s32 $0x4200, s12;
	s31 =	sadd.s32 $0x200, s12  }
0x47: {  	[tilespmem:s30], [sflag:$0x1] =	stream.indirect.gather [hbm4b:s2+s8], $0x1, s31, s8, $0xb8;
	[tilespmem:$0x8000] =	vst v63  }
0x48: {  	_ =	swait.ge [sflag:s9], $0x50  }
0x49: {  	[sflag:s9] =	ssyncset.done $0x0  }
0x4a: {  	[sflag:s9] =	ssyncadd.s32 $0xFFFFFFB0  }
0x4b: {  	_ =	swait.ge [sflag:s9], $0x50  }
0x4c: {  	[sflag:s9] =	ssyncset.done $0x0  }
0x4d: {  	[sflag:s9] =	ssyncadd.s32 $0xFFFFFFB0  }
0x4e: {  	_ =	swait.ge [sflag:s9], $0x50  }
0x4f: {  	[sflag:s9] =	ssyncset.done $0x0  }
0x50: {  	[sflag:s9] =	ssyncadd.s32 $0xFFFFFFB0  }
0x51: {  	_ =	swait.ge [sflag:s9], $0x50  }
0x52: {  	[sflag:s9] =	ssyncset.done $0x0  }
0x53: {  	[sflag:s9] =	ssyncadd.s32 $0xFFFFFFB0  }
0x54: {  	s11 =	sadd.s32 $0x1, s11;
	_ =	swait.ge [sflag:s9], $0x50  }
0x55: {  	p0 =	sne.s32 s11, s6;
	[sflag:s9] =	ssyncset.done $0x0  }
.Ltmp1:
0x56: {  	[sflag:s9] =	ssyncadd.s32 $0xFFFFFFB0;
	(pc) =	sbr.rel @p0 .LBB2_1-.Ltmp1, $4  }
0x57: {  	[hbm4b:s5+s3] =	stream.linear.scatter [tilespmem:s10], [sflag:$0x2], $0x3E80, $0x38;
	[tilespmem:$0x8000] =	vst v63  }
0x58: {  	_ =	swait.ge [sflag:s7], $0x3E80  }
0x59: {  	[sflag:s7] =	ssyncset.done $0x0  }
0x5a: {  	[sflag:s7] =	ssyncadd.s32 $0xFFFFC180  }
0x5b: {  	_ =	sfence.sel $0x180000  }
0x5c: {  	[bflag:$0x0] =	sbarrier.arrive $0xFFFF  }
0x5d: {  	p0 =	sne.s32 s1, $0x0;
	_ =	strace $0x90000047  }
0x5e: {  	s0 =	sadd.s32 @!p0 $0x100000, s0;
	[bflag:$0x2] =	sbarrier.arrive $0xFFFF  }
0x5f: {  	[sflag:s0] =	ssyncadd.tile.s32 @!p0 $0x1;
	_ =	shalt  }
.Lfunc_end2:
_tile_overlayer_lowered:
.L_overlay_start_2:
0x60: {  	(tag) =	ssettag $0x2  }
0x61: {  	s0 =	rddreg [dreg:$0x0];
	s2 =	stileid.u32  }
0x62: {  	s1 =	rddreg [dreg:$0x1];
	p0 =	sne.s32 s2, $0x0  }
0x63: {  	s3 =	rddreg [dreg:$0x2];
	[bflag:$0x3] =	sbarrier.arrive $0xFFFF;
	s2 =	simm.s32 @!p0 $0x1C02  }
0x64: {  	[timem:s3], [sflag:s2] =	dma.local @!p0 [hbm:s0], s1  }
0x65: {  	s0 =	simm.s32 @!p0 $0x2  }
0x66: {  	_ =	swait.ge @!p0 [sflag:s0], s1  }
0x67: {  	s1 =	ssub.s32 @!p0 $0x0, s1;
	[sflag:s0] =	ssyncset.done @!p0 $0x0  }
0x68: {  	[sflag:s0] =	ssyncadd.s32 @!p0 s1  }
0x69: {  	[bflag:$0x3] =	sbarrier.arrive $0xFFFF  }
0x6a: {  	_ =	shalt  }

</sc_bundles>
